<compile_context>
chip_gen: v7x
topology: tpu7x:2x2x1
jax: 0.10.2.dev20260603
libtpu: 0.0.44.dev20260713+nightly
codegen_flags: <defaults>
</compile_context>

<pallas_src>
import functools

import jax
import jax.numpy as jnp
from jax import lax
from jax.experimental import pallas as pl
from jax.experimental.pallas import tpu as pltpu
from jax.experimental.pallas import tpu_sc as plsc

VOCAB = 1000
D_MODEL = 128
BATCH = 1024
SEQ = 50
NUM_CORES = 2
NUM_SUBCORES = 16
NW = NUM_CORES * NUM_SUBCORES
STRIPES = (20, 30)
CHUNK = 80


@functools.cache
def _make_gather_rows(s0, sseq):
    tokens = BATCH * sseq
    tpw = tokens // NW
    nchunk = tpw // CHUNK
    assert nchunk * CHUNK == tpw and nchunk % 2 == 0
    tok0 = BATCH * s0
    mesh = plsc.VectorSubcoreMesh(core_axis_name="c", subcore_axis_name="s")

    @functools.partial(
        pl.kernel,
        mesh=mesh,
        out_type=jax.ShapeDtypeStruct((tokens, D_MODEL), jnp.float32),
        scratch_types=[
            pltpu.VMEM((tpw,), jnp.int32),
            pltpu.VMEM((CHUNK, D_MODEL), jnp.float32),
            pltpu.VMEM((CHUNK, D_MODEL), jnp.float32),
            pltpu.SemaphoreType.DMA,
            pltpu.SemaphoreType.DMA,
            pltpu.SemaphoreType.DMA,
            pltpu.SemaphoreType.DMA,
        ],
    )
    def _gather_rows(tab_hbm, idx_hbm, out_hbm, idx_v, buf_a, buf_b,
                     sg_a, sg_b, ss_a, ss_b):
        wid = lax.axis_index("s") * NUM_CORES + lax.axis_index("c")
        base = wid * tpw
        pltpu.sync_copy(idx_hbm.at[pl.ds(tok0 + base, tpw)], idx_v)

        bufs = (buf_a, buf_b)
        gsems = (sg_a, sg_b)
        ssems = (ss_a, ss_b)

        def gather_src(c):
            return tab_hbm.at[idx_v.at[pl.ds(c * CHUNK, CHUNK)]]

        def out_dst(c):
            return out_hbm.at[pl.ds(base + c * CHUNK, CHUNK)]

        pltpu.async_copy(gather_src(0), bufs[0], gsems[0])

        def body(c0, carry):
            for p in range(2):
                c = c0 + p
                buf, gs, ss = bufs[p], gsems[p], ssems[p]
                other = 1 - p
                pltpu.make_async_copy(gather_src(c), buf, gs).wait()
                nxt = c + 1

                @pl.when(nxt < nchunk)
                def _():
                    @pl.when(c >= 1)
                    def _():
                        pltpu.make_async_copy(
                            bufs[other], out_dst(c - 1), ssems[other]
                        ).wait()

                    pltpu.async_copy(gather_src(nxt), bufs[other], gsems[other])

                pltpu.async_copy(buf, out_dst(c), ss)
            return carry

        lax.fori_loop(0, nchunk // 2, lambda i, c: body(i * 2, c), 0)

        pltpu.make_async_copy(bufs[0], out_dst(nchunk - 2), ssems[0]).wait()
        pltpu.make_async_copy(bufs[1], out_dst(nchunk - 1), ssems[1]).wait()

    return _gather_rows


def _proj_kernel_first(w_ref, e_ref, b_ref, o_ref):
    o_ref[0] = (
        lax.dot_general(
            w_ref[...], e_ref[0],
            (((0,), (1,)), ((), ())),
            preferred_element_type=jnp.float32,
        )
        + b_ref[...]
    )


def _proj_kernel_next(w_ref, e_ref, b_ref, prev_ref, o_ref):
    del prev_ref
    _proj_kernel_first(w_ref, e_ref, b_ref, o_ref)


def _project_stripe(w, emb_t, b_col, s0, sseq, prev):
    in_specs = [
        pl.BlockSpec((D_MODEL, VOCAB), lambda s: (0, 0)),
        pl.BlockSpec((1, BATCH, D_MODEL), lambda s: (s, 0, 0)),
        pl.BlockSpec((VOCAB, 1), lambda s: (0, 0)),
    ]
    args = [w, emb_t, b_col]
    if prev is None:
        body = _proj_kernel_first
        aliases = {}
    else:
        body = _proj_kernel_next
        in_specs.append(pl.BlockSpec(memory_space=pl.ANY))
        args.append(prev)
        aliases = {3: 0}
    return pl.pallas_call(
        body,
        grid=(sseq,),
        in_specs=in_specs,
        out_specs=pl.BlockSpec((1, VOCAB, BATCH), lambda s: (s + s0, 0, 0)),
        out_shape=jax.ShapeDtypeStruct((SEQ, VOCAB, BATCH), jnp.float32),
        input_output_aliases=aliases,
    )(*args)


def kernel(x, emb_table, W, b):
    xt = x.astype(jnp.int32).T.reshape(SEQ * BATCH)
    b_col = b[:, None]
    embs = []
    s0 = 0
    for sseq in STRIPES:
        emb_g = _make_gather_rows(s0, sseq)(emb_table, xt)
        embs.append((s0, sseq, emb_g.reshape(sseq, BATCH, D_MODEL)))
        s0 += sseq
    t = None
    for s0, sseq, emb_t in embs:
        t = _project_stripe(W, emb_t, b_col, s0, sseq, t)
    return jnp.transpose(t, (2, 0, 1))

# --- scband reference (transcript-rebuilt; emitter-appended) ---
"""Pipeline reference for scband-mock-train-model-34892314313212 (READ-ONLY COPY).

The authoritative reference and input builder live on the scoring server;
editing this copy changes nothing except your own understanding.
"""

import jax, jax.numpy as jnp
import numpy as np

VOCAB = 1000
D_MODEL = 128
BATCH = 1024
SEQ = 50

def setup_inputs(seed: int = 0) -> dict:
    key = jax.random.key(seed)
    k_x, k_emb, k_w, k_b = jax.random.split(key, 4)
    x = jax.random.randint(k_x, (BATCH, SEQ), 0, VOCAB, dtype=jnp.int64 if jax.config.jax_enable_x64 else jnp.int32)
    emb_table = jax.random.normal(k_emb, (VOCAB, D_MODEL), dtype=jnp.float32)
    # nn.Linear default init scale ~ 1/sqrt(fan_in); exact init not required for correctness
    W = jax.random.normal(k_w, (D_MODEL, VOCAB), dtype=jnp.float32) / np.sqrt(D_MODEL)
    b = jax.random.normal(k_b, (VOCAB,), dtype=jnp.float32) / np.sqrt(D_MODEL)
    return {"x": x, "emb_table": emb_table, "W": W, "b": b}

def reference(x, emb_table, W, b):
    # embedding lookup (SparseCore gather)
    emb = jnp.take(emb_table, x, axis=0)            # [B, S, d_model]
    logits = jnp.einsum('bsd,dv->bsv', emb, W) + b  # [B, S, vocab]
    return logits

if __name__ == "__main__":
    import jax
    _d = setup_inputs()
    print(jax.jit(kernel)(*tuple(_d.values())))

</pallas_src>

<mosaic_0001>
#map = affine_map<(d0, d1) -> (0, 0)>
#map1 = affine_map<(d0, d1) -> (0)>
module attributes {stable_mosaic.version = 14 : i64} {
  func.func @_gather_rows(%arg0: i32, %arg1: i32, %arg2: memref<1000x128xf32, #tpu.memory_space<hbm>>, %arg3: memref<51200xi32, #tpu.memory_space<hbm>>, %arg4: memref<20480x128xf32, #tpu.memory_space<hbm>>, %arg5: memref<640xi32, #tpu.memory_space<vmem>>, %arg6: memref<80x128xf32, #tpu.memory_space<vmem>>, %arg7: memref<80x128xf32, #tpu.memory_space<vmem>>, %arg8: memref<!tpu.dma_semaphore, #tpu.memory_space<semaphore_mem>>, %arg9: memref<!tpu.dma_semaphore, #tpu.memory_space<semaphore_mem>>, %arg10: memref<!tpu.dma_semaphore, #tpu.memory_space<semaphore_mem>>, %arg11: memref<!tpu.dma_semaphore, #tpu.memory_space<semaphore_mem>>) attributes {dimension_semantics = [#tpu.dimension_semantics<core_parallel>, #tpu.dimension_semantics<subcore_parallel>], iteration_bounds = array<i64: 2, 16>, scalar_prefetch = 0 : i64, scratch_operands = 7 : i64, tpu.core_type = #tpu.core_type<sc_vector_subcore>, window_params = [{transform_indices = #map}, {transform_indices = #map1}, {transform_indices = #map}]} {
    %mul3A = arith.constant 2 : i32
    %mul3A_0 = arith.muli %arg1, %mul3A : i32
    %add3A = arith.addi %mul3A_0, %arg0 : i32
    %mul3A_1 = arith.constant 640 : i32
    %mul3A_2 = arith.muli %add3A, %mul3A_1 : i32
    %add3A_3 = arith.constant 0 : i32
    %add3A_4 = arith.addi %add3A_3, %mul3A_2 : i32
    "tpu.region"() ({
      %run_scoped3A = tpu.sem_alloc : memref<!tpu.dma_semaphore, #tpu.memory_space<semaphore_mem>>
      %dma_start3A_25 = tpu.memref_slice %arg3[%add3A_4] : memref<51200xi32, #tpu.memory_space<hbm>> -> memref<640xi32, #tpu.memory_space<hbm>>
      %dma_start3A_26 = tpu.memref_slice %arg3[%add3A_4] : memref<51200xi32, #tpu.memory_space<hbm>> -> memref<640xi32, #tpu.memory_space<hbm>>
      tpu.enqueue_dma source(%dma_start3A_26 : memref<640xi32, #tpu.memory_space<hbm>>) target(%arg5 : memref<640xi32, #tpu.memory_space<vmem>>) target_semaphore(%run_scoped3A : memref<!tpu.dma_semaphore, #tpu.memory_space<semaphore_mem>>)
      %dma_wait3A_27 = tpu.memref_slice %arg3[%add3A_4] : memref<51200xi32, #tpu.memory_space<hbm>> -> memref<640xi32, #tpu.memory_space<hbm>>
      %dma_wait3A_28 = tpu.memref_slice %arg3[%add3A_4] : memref<51200xi32, #tpu.memory_space<hbm>> -> memref<640xi32, #tpu.memory_space<hbm>>
      tpu.wait_dma2 semaphore(%run_scoped3A : memref<!tpu.dma_semaphore, #tpu.memory_space<semaphore_mem>>) src(%dma_wait3A_28 : memref<640xi32, #tpu.memory_space<hbm>>) dst(%arg5 : memref<640xi32, #tpu.memory_space<vmem>>)
      tpu.yield
    }) : () -> ()
    %dma_start3A = arith.constant 0 : i32
    %dma_start3A_5 = tpu.memref_slice %arg5[%dma_start3A] : memref<640xi32, #tpu.memory_space<vmem>> -> memref<80xi32, #tpu.memory_space<vmem>>
    %dma_start3A_6 = arith.constant 0 : i32
    %dma_start3A_7 = arith.constant 0 : i32
    %dma_start3A_8 = tpu.memref_slice %arg2[%dma_start3A_6, %dma_start3A_7] : memref<1000x128xf32, #tpu.memory_space<hbm>> -> memref<1000x128xf32, #tpu.memory_space<hbm>>
    tpu.enqueue_indirect_dma source(%dma_start3A_8 : memref<1000x128xf32, #tpu.memory_space<hbm>>) target(%arg6 : memref<80x128xf32, #tpu.memory_space<vmem>>) offsets(%dma_start3A_5 : memref<80xi32, #tpu.memory_space<vmem>>) semaphore(%arg8 : memref<!tpu.dma_semaphore, #tpu.memory_space<semaphore_mem>>)
    %scan3A = arith.constant 0 : i32
    %scan3A_9 = arith.constant 0 : i32
    %scan3A_10 = arith.constant 4 : i32
    %scan3A_11 = arith.addi %scan3A_9, %scan3A_10 : i32
    %scan3A_12 = arith.constant 1 : i32
    scf.for %scan3A_25 = %scan3A_9 to %scan3A_11 step %scan3A_12  : i32 {
      %mul3A_26 = arith.constant 2 : i32
      %mul3A_27 = arith.muli %scan3A_25, %mul3A_26 : i32
      %add3A_28 = arith.constant 0 : i32
      %add3A_29 = arith.addi %mul3A_27, %add3A_28 : i32
      %mul3A_30 = arith.constant 80 : i32
      %mul3A_31 = arith.muli %add3A_29, %mul3A_30 : i32
      %dma_wait3A_32 = tpu.memref_slice %arg5[%mul3A_31] : memref<640xi32, #tpu.memory_space<vmem>> -> memref<80xi32, #tpu.memory_space<vmem>>
      %dma_wait3A_33 = arith.constant 0 : i32
      %dma_wait3A_34 = arith.constant 0 : i32
      %dma_wait3A_35 = tpu.memref_slice %arg2[%dma_wait3A_33, %dma_wait3A_34] : memref<1000x128xf32, #tpu.memory_space<hbm>> -> memref<1000x128xf32, #tpu.memory_space<hbm>>
      tpu.wait_indirect_dma semaphore(%arg8 : memref<!tpu.dma_semaphore, #tpu.memory_space<semaphore_mem>>) src(%dma_wait3A_35 : memref<1000x128xf32, #tpu.memory_space<hbm>>) dst(%arg6 : memref<80x128xf32, #tpu.memory_space<vmem>>)
      %add3A_36 = arith.constant 1 : i32
      %add3A_37 = arith.addi %add3A_29, %add3A_36 : i32
      %lt3A = arith.constant 8 : i32
      %lt3A_38 = arith.cmpi slt, %add3A_37, %lt3A : i32
      %convert_element_type3A = arith.extui %lt3A_38 : i1 to i32
      %cond3A = arith.constant 0 : i32
      %cond3A_39 = arith.cmpi ne, %convert_element_type3A, %cond3A : i32
      scf.if %cond3A_39 {
        %ge3A = arith.constant 1 : i32
        %ge3A_69 = arith.cmpi sge, %add3A_29, %ge3A : i32
        %convert_element_type3A_70 = arith.extui %ge3A_69 : i1 to i32
        %cond3A_71 = arith.constant 0 : i32
        %cond3A_72 = arith.cmpi ne, %convert_element_type3A_70, %cond3A_71 : i32
        scf.if %cond3A_72 {
          %sub3A = arith.constant 1 : i32
          %sub3A_79 = arith.subi %add3A_29, %sub3A : i32
          %mul3A_80 = arith.constant 80 : i32
          %mul3A_81 = arith.muli %sub3A_79, %mul3A_80 : i32
          %add3A_82 = arith.addi %mul3A_2, %mul3A_81 : i32
          %dma_wait3A_83 = arith.constant 0 : i32
          %dma_wait3A_84 = tpu.memref_slice %arg4[%add3A_82, %dma_wait3A_83] : memref<20480x128xf32, #tpu.memory_space<hbm>> -> memref<80x128xf32, #tpu.memory_space<hbm>>
          %dma_wait3A_85 = arith.constant 0 : i32
          %dma_wait3A_86 = tpu.memref_slice %arg4[%add3A_82, %dma_wait3A_85] : memref<20480x128xf32, #tpu.memory_space<hbm>> -> memref<80x128xf32, #tpu.memory_space<hbm>>
          tpu.wait_dma2 semaphore(%arg11 : memref<!tpu.dma_semaphore, #tpu.memory_space<semaphore_mem>>) src(%arg7 : memref<80x128xf32, #tpu.memory_space<vmem>>) dst(%dma_wait3A_86 : memref<80x128xf32, #tpu.memory_space<hbm>>)
        } else {
        }
        %mul3A_73 = arith.constant 80 : i32
        %mul3A_74 = arith.muli %add3A_37, %mul3A_73 : i32
        %dma_start3A_75 = tpu.memref_slice %arg5[%mul3A_74] : memref<640xi32, #tpu.memory_space<vmem>> -> memref<80xi32, #tpu.memory_space<vmem>>
        %dma_start3A_76 = arith.constant 0 : i32
        %dma_start3A_77 = arith.constant 0 : i32
        %dma_start3A_78 = tpu.memref_slice %arg2[%dma_start3A_76, %dma_start3A_77] : memref<1000x128xf32, #tpu.memory_space<hbm>> -> memref<1000x128xf32, #tpu.memory_space<hbm>>
        tpu.enqueue_indirect_dma source(%dma_start3A_78 : memref<1000x128xf32, #tpu.memory_space<hbm>>) target(%arg7 : memref<80x128xf32, #tpu.memory_space<vmem>>) offsets(%dma_start3A_75 : memref<80xi32, #tpu.memory_space<vmem>>) semaphore(%arg9 : memref<!tpu.dma_semaphore, #tpu.memory_space<semaphore_mem>>)
      } else {
      }
      %mul3A_40 = arith.constant 80 : i32
      %mul3A_41 = arith.muli %add3A_29, %mul3A_40 : i32
      %add3A_42 = arith.addi %mul3A_2, %mul3A_41 : i32
      %dma_start3A_43 = arith.constant 0 : i32
      %dma_start3A_44 = tpu.memref_slice %arg4[%add3A_42, %dma_start3A_43] : memref<20480x128xf32, #tpu.memory_space<hbm>> -> memref<80x128xf32, #tpu.memory_space<hbm>>
      %dma_start3A_45 = arith.constant 0 : i32
      %dma_start3A_46 = tpu.memref_slice %arg4[%add3A_42, %dma_start3A_45] : memref<20480x128xf32, #tpu.memory_space<hbm>> -> memref<80x128xf32, #tpu.memory_space<hbm>>
      tpu.enqueue_dma source(%arg6 : memref<80x128xf32, #tpu.memory_space<vmem>>) target(%dma_start3A_46 : memref<80x128xf32, #tpu.memory_space<hbm>>) target_semaphore(%arg10 : memref<!tpu.dma_semaphore, #tpu.memory_space<semaphore_mem>>)
      %add3A_47 = arith.constant 1 : i32
      %add3A_48 = arith.addi %mul3A_27, %add3A_47 : i32
      %mul3A_49 = arith.constant 80 : i32
      %mul3A_50 = arith.muli %add3A_48, %mul3A_49 : i32
      %dma_wait3A_51 = tpu.memref_slice %arg5[%mul3A_50] : memref<640xi32, #tpu.memory_space<vmem>> -> memref<80xi32, #tpu.memory_space<vmem>>
      %dma_wait3A_52 = arith.constant 0 : i32
      %dma_wait3A_53 = arith.constant 0 : i32
      %dma_wait3A_54 = tpu.memref_slice %arg2[%dma_wait3A_52, %dma_wait3A_53] : memref<1000x128xf32, #tpu.memory_space<hbm>> -> memref<1000x128xf32, #tpu.memory_space<hbm>>
      tpu.wait_indirect_dma semaphore(%arg9 : memref<!tpu.dma_semaphore, #tpu.memory_space<semaphore_mem>>) src(%dma_wait3A_54 : memref<1000x128xf32, #tpu.memory_space<hbm>>) dst(%arg7 : memref<80x128xf32, #tpu.memory_space<vmem>>)
      %add3A_55 = arith.constant 1 : i32
      %add3A_56 = arith.addi %add3A_48, %add3A_55 : i32
      %lt3A_57 = arith.constant 8 : i32
      %lt3A_58 = arith.cmpi slt, %add3A_56, %lt3A_57 : i32
      %convert_element_type3A_59 = arith.extui %lt3A_58 : i1 to i32
      %cond3A_60 = arith.constant 0 : i32
      %cond3A_61 = arith.cmpi ne, %convert_element_type3A_59, %cond3A_60 : i32
      scf.if %cond3A_61 {
        %ge3A = arith.constant 1 : i32
        %ge3A_69 = arith.cmpi sge, %add3A_48, %ge3A : i32
        %convert_element_type3A_70 = arith.extui %ge3A_69 : i1 to i32
        %cond3A_71 = arith.constant 0 : i32
        %cond3A_72 = arith.cmpi ne, %convert_element_type3A_70, %cond3A_71 : i32
        scf.if %cond3A_72 {
          %sub3A = arith.constant 1 : i32
          %sub3A_79 = arith.subi %add3A_48, %sub3A : i32
          %mul3A_80 = arith.constant 80 : i32
          %mul3A_81 = arith.muli %sub3A_79, %mul3A_80 : i32
          %add3A_82 = arith.addi %mul3A_2, %mul3A_81 : i32
          %dma_wait3A_83 = arith.constant 0 : i32
          %dma_wait3A_84 = tpu.memref_slice %arg4[%add3A_82, %dma_wait3A_83] : memref<20480x128xf32, #tpu.memory_space<hbm>> -> memref<80x128xf32, #tpu.memory_space<hbm>>
          %dma_wait3A_85 = arith.constant 0 : i32
          %dma_wait3A_86 = tpu.memref_slice %arg4[%add3A_82, %dma_wait3A_85] : memref<20480x128xf32, #tpu.memory_space<hbm>> -> memref<80x128xf32, #tpu.memory_space<hbm>>
          tpu.wait_dma2 semaphore(%arg10 : memref<!tpu.dma_semaphore, #tpu.memory_space<semaphore_mem>>) src(%arg6 : memref<80x128xf32, #tpu.memory_space<vmem>>) dst(%dma_wait3A_86 : memref<80x128xf32, #tpu.memory_space<hbm>>)
        } else {
        }
        %mul3A_73 = arith.constant 80 : i32
        %mul3A_74 = arith.muli %add3A_56, %mul3A_73 : i32
        %dma_start3A_75 = tpu.memref_slice %arg5[%mul3A_74] : memref<640xi32, #tpu.memory_space<vmem>> -> memref<80xi32, #tpu.memory_space<vmem>>
        %dma_start3A_76 = arith.constant 0 : i32
        %dma_start3A_77 = arith.constant 0 : i32
        %dma_start3A_78 = tpu.memref_slice %arg2[%dma_start3A_76, %dma_start3A_77] : memref<1000x128xf32, #tpu.memory_space<hbm>> -> memref<1000x128xf32, #tpu.memory_space<hbm>>
        tpu.enqueue_indirect_dma source(%dma_start3A_78 : memref<1000x128xf32, #tpu.memory_space<hbm>>) target(%arg6 : memref<80x128xf32, #tpu.memory_space<vmem>>) offsets(%dma_start3A_75 : memref<80xi32, #tpu.memory_space<vmem>>) semaphore(%arg8 : memref<!tpu.dma_semaphore, #tpu.memory_space<semaphore_mem>>)
      } else {
      }
      %mul3A_62 = arith.constant 80 : i32
      %mul3A_63 = arith.muli %add3A_48, %mul3A_62 : i32
      %add3A_64 = arith.addi %mul3A_2, %mul3A_63 : i32
      %dma_start3A_65 = arith.constant 0 : i32
      %dma_start3A_66 = tpu.memref_slice %arg4[%add3A_64, %dma_start3A_65] : memref<20480x128xf32, #tpu.memory_space<hbm>> -> memref<80x128xf32, #tpu.memory_space<hbm>>
      %dma_start3A_67 = arith.constant 0 : i32
      %dma_start3A_68 = tpu.memref_slice %arg4[%add3A_64, %dma_start3A_67] : memref<20480x128xf32, #tpu.memory_space<hbm>> -> memref<80x128xf32, #tpu.memory_space<hbm>>
      tpu.enqueue_dma source(%arg7 : memref<80x128xf32, #tpu.memory_space<vmem>>) target(%dma_start3A_68 : memref<80x128xf32, #tpu.memory_space<hbm>>) target_semaphore(%arg11 : memref<!tpu.dma_semaphore, #tpu.memory_space<semaphore_mem>>)
    }
    %scan3A_13 = arith.constant 4 : i32
    %add3A_14 = arith.constant 480 : i32
    %add3A_15 = arith.addi %mul3A_2, %add3A_14 : i32
    %dma_wait3A = arith.constant 0 : i32
    %dma_wait3A_16 = tpu.memref_slice %arg4[%add3A_15, %dma_wait3A] : memref<20480x128xf32, #tpu.memory_space<hbm>> -> memref<80x128xf32, #tpu.memory_space<hbm>>
    %dma_wait3A_17 = arith.constant 0 : i32
    %dma_wait3A_18 = tpu.memref_slice %arg4[%add3A_15, %dma_wait3A_17] : memref<20480x128xf32, #tpu.memory_space<hbm>> -> memref<80x128xf32, #tpu.memory_space<hbm>>
    tpu.wait_dma2 semaphore(%arg10 : memref<!tpu.dma_semaphore, #tpu.memory_space<semaphore_mem>>) src(%arg6 : memref<80x128xf32, #tpu.memory_space<vmem>>) dst(%dma_wait3A_18 : memref<80x128xf32, #tpu.memory_space<hbm>>)
    %add3A_19 = arith.constant 560 : i32
    %add3A_20 = arith.addi %mul3A_2, %add3A_19 : i32
    %dma_wait3A_21 = arith.constant 0 : i32
    %dma_wait3A_22 = tpu.memref_slice %arg4[%add3A_20, %dma_wait3A_21] : memref<20480x128xf32, #tpu.memory_space<hbm>> -> memref<80x128xf32, #tpu.memory_space<hbm>>
    %dma_wait3A_23 = arith.constant 0 : i32
    %dma_wait3A_24 = tpu.memref_slice %arg4[%add3A_20, %dma_wait3A_23] : memref<20480x128xf32, #tpu.memory_space<hbm>> -> memref<80x128xf32, #tpu.memory_space<hbm>>
    tpu.wait_dma2 semaphore(%arg11 : memref<!tpu.dma_semaphore, #tpu.memory_space<semaphore_mem>>) src(%arg7 : memref<80x128xf32, #tpu.memory_space<vmem>>) dst(%dma_wait3A_24 : memref<80x128xf32, #tpu.memory_space<hbm>>)
    return
  }
}

#map = affine_map<(d0, d1) -> (0, 0)>
#map1 = affine_map<(d0, d1) -> (0)>
module attributes {stable_mosaic.version = 14 : i64} {
  func.func @_gather_rows(%arg0: i32, %arg1: i32, %arg2: memref<1000x128xf32, #tpu.memory_space<hbm>>, %arg3: memref<51200xi32, #tpu.memory_space<hbm>>, %arg4: memref<30720x128xf32, #tpu.memory_space<hbm>>, %arg5: memref<960xi32, #tpu.memory_space<vmem>>, %arg6: memref<80x128xf32, #tpu.memory_space<vmem>>, %arg7: memref<80x128xf32, #tpu.memory_space<vmem>>, %arg8: memref<!tpu.dma_semaphore, #tpu.memory_space<semaphore_mem>>, %arg9: memref<!tpu.dma_semaphore, #tpu.memory_space<semaphore_mem>>, %arg10: memref<!tpu.dma_semaphore, #tpu.memory_space<semaphore_mem>>, %arg11: memref<!tpu.dma_semaphore, #tpu.memory_space<semaphore_mem>>) attributes {dimension_semantics = [#tpu.dimension_semantics<core_parallel>, #tpu.dimension_semantics<subcore_parallel>], iteration_bounds = array<i64: 2, 16>, scalar_prefetch = 0 : i64, scratch_operands = 7 : i64, tpu.core_type = #tpu.core_type<sc_vector_subcore>, window_params = [{transform_indices = #map}, {transform_indices = #map1}, {transform_indices = #map}]} {
    %mul3A = arith.constant 2 : i32
    %mul3A_0 = arith.muli %arg1, %mul3A : i32
    %add3A = arith.addi %mul3A_0, %arg0 : i32
    %mul3A_1 = arith.constant 960 : i32
    %mul3A_2 = arith.muli %add3A, %mul3A_1 : i32
    %add3A_3 = arith.constant 20480 : i32
    %add3A_4 = arith.addi %add3A_3, %mul3A_2 : i32
    "tpu.region"() ({
      %run_scoped3A = tpu.sem_alloc : memref<!tpu.dma_semaphore, #tpu.memory_space<semaphore_mem>>
      %dma_start3A_25 = tpu.memref_slice %arg3[%add3A_4] : memref<51200xi32, #tpu.memory_space<hbm>> -> memref<960xi32, #tpu.memory_space<hbm>>
      %dma_start3A_26 = tpu.memref_slice %arg3[%add3A_4] : memref<51200xi32, #tpu.memory_space<hbm>> -> memref<960xi32, #tpu.memory_space<hbm>>
      tpu.enqueue_dma source(%dma_start3A_26 : memref<960xi32, #tpu.memory_space<hbm>>) target(%arg5 : memref<960xi32, #tpu.memory_space<vmem>>) target_semaphore(%run_scoped3A : memref<!tpu.dma_semaphore, #tpu.memory_space<semaphore_mem>>)
      %dma_wait3A_27 = tpu.memref_slice %arg3[%add3A_4] : memref<51200xi32, #tpu.memory_space<hbm>> -> memref<960xi32, #tpu.memory_space<hbm>>
      %dma_wait3A_28 = tpu.memref_slice %arg3[%add3A_4] : memref<51200xi32, #tpu.memory_space<hbm>> -> memref<960xi32, #tpu.memory_space<hbm>>
      tpu.wait_dma2 semaphore(%run_scoped3A : memref<!tpu.dma_semaphore, #tpu.memory_space<semaphore_mem>>) src(%dma_wait3A_28 : memref<960xi32, #tpu.memory_space<hbm>>) dst(%arg5 : memref<960xi32, #tpu.memory_space<vmem>>)
      tpu.yield
    }) : () -> ()
    %dma_start3A = arith.constant 0 : i32
    %dma_start3A_5 = tpu.memref_slice %arg5[%dma_start3A] : memref<960xi32, #tpu.memory_space<vmem>> -> memref<80xi32, #tpu.memory_space<vmem>>
    %dma_start3A_6 = arith.constant 0 : i32
    %dma_start3A_7 = arith.constant 0 : i32
    %dma_start3A_8 = tpu.memref_slice %arg2[%dma_start3A_6, %dma_start3A_7] : memref<1000x128xf32, #tpu.memory_space<hbm>> -> memref<1000x128xf32, #tpu.memory_space<hbm>>
    tpu.enqueue_indirect_dma source(%dma_start3A_8 : memref<1000x128xf32, #tpu.memory_space<hbm>>) target(%arg6 : memref<80x128xf32, #tpu.memory_space<vmem>>) offsets(%dma_start3A_5 : memref<80xi32, #tpu.memory_space<vmem>>) semaphore(%arg8 : memref<!tpu.dma_semaphore, #tpu.memory_space<semaphore_mem>>)
    %scan3A = arith.constant 0 : i32
    %scan3A_9 = arith.constant 0 : i32
    %scan3A_10 = arith.constant 6 : i32
    %scan3A_11 = arith.addi %scan3A_9, %scan3A_10 : i32
    %scan3A_12 = arith.constant 1 : i32
    scf.for %scan3A_25 = %scan3A_9 to %scan3A_11 step %scan3A_12  : i32 {
      %mul3A_26 = arith.constant 2 : i32
      %mul3A_27 = arith.muli %scan3A_25, %mul3A_26 : i32
      %add3A_28 = arith.constant 0 : i32
      %add3A_29 = arith.addi %mul3A_27, %add3A_28 : i32
      %mul3A_30 = arith.constant 80 : i32
      %mul3A_31 = arith.muli %add3A_29, %mul3A_30 : i32
      %dma_wait3A_32 = tpu.memref_slice %arg5[%mul3A_31] : memref<960xi32, #tpu.memory_space<vmem>> -> memref<80xi32, #tpu.memory_space<vmem>>
      %dma_wait3A_33 = arith.constant 0 : i32
      %dma_wait3A_34 = arith.constant 0 : i32
      %dma_wait3A_35 = tpu.memref_slice %arg2[%dma_wait3A_33, %dma_wait3A_34] : memref<1000x128xf32, #tpu.memory_space<hbm>> -> memref<1000x128xf32, #tpu.memory_space<hbm>>
      tpu.wait_indirect_dma semaphore(%arg8 : memref<!tpu.dma_semaphore, #tpu.memory_space<semaphore_mem>>) src(%dma_wait3A_35 : memref<1000x128xf32, #tpu.memory_space<hbm>>) dst(%arg6 : memref<80x128xf32, #tpu.memory_space<vmem>>)
      %add3A_36 = arith.constant 1 : i32
      %add3A_37 = arith.addi %add3A_29, %add3A_36 : i32
      %lt3A = arith.constant 12 : i32
      %lt3A_38 = arith.cmpi slt, %add3A_37, %lt3A : i32
      %convert_element_type3A = arith.extui %lt3A_38 : i1 to i32
      %cond3A = arith.constant 0 : i32
      %cond3A_39 = arith.cmpi ne, %convert_element_type3A, %cond3A : i32
      scf.if %cond3A_39 {
        %ge3A = arith.constant 1 : i32
        %ge3A_69 = arith.cmpi sge, %add3A_29, %ge3A : i32
        %convert_element_type3A_70 = arith.extui %ge3A_69 : i1 to i32
        %cond3A_71 = arith.constant 0 : i32
        %cond3A_72 = arith.cmpi ne, %convert_element_type3A_70, %cond3A_71 : i32
        scf.if %cond3A_72 {
          %sub3A = arith.constant 1 : i32
          %sub3A_79 = arith.subi %add3A_29, %sub3A : i32
          %mul3A_80 = arith.constant 80 : i32
          %mul3A_81 = arith.muli %sub3A_79, %mul3A_80 : i32
          %add3A_82 = arith.addi %mul3A_2, %mul3A_81 : i32
          %dma_wait3A_83 = arith.constant 0 : i32
          %dma_wait3A_84 = tpu.memref_slice %arg4[%add3A_82, %dma_wait3A_83] : memref<30720x128xf32, #tpu.memory_space<hbm>> -> memref<80x128xf32, #tpu.memory_space<hbm>>
          %dma_wait3A_85 = arith.constant 0 : i32
          %dma_wait3A_86 = tpu.memref_slice %arg4[%add3A_82, %dma_wait3A_85] : memref<30720x128xf32, #tpu.memory_space<hbm>> -> memref<80x128xf32, #tpu.memory_space<hbm>>
          tpu.wait_dma2 semaphore(%arg11 : memref<!tpu.dma_semaphore, #tpu.memory_space<semaphore_mem>>) src(%arg7 : memref<80x128xf32, #tpu.memory_space<vmem>>) dst(%dma_wait3A_86 : memref<80x128xf32, #tpu.memory_space<hbm>>)
        } else {
        }
        %mul3A_73 = arith.constant 80 : i32
        %mul3A_74 = arith.muli %add3A_37, %mul3A_73 : i32
        %dma_start3A_75 = tpu.memref_slice %arg5[%mul3A_74] : memref<960xi32, #tpu.memory_space<vmem>> -> memref<80xi32, #tpu.memory_space<vmem>>
        %dma_start3A_76 = arith.constant 0 : i32
        %dma_start3A_77 = arith.constant 0 : i32
        %dma_start3A_78 = tpu.memref_slice %arg2[%dma_start3A_76, %dma_start3A_77] : memref<1000x128xf32, #tpu.memory_space<hbm>> -> memref<1000x128xf32, #tpu.memory_space<hbm>>
        tpu.enqueue_indirect_dma source(%dma_start3A_78 : memref<1000x128xf32, #tpu.memory_space<hbm>>) target(%arg7 : memref<80x128xf32, #tpu.memory_space<vmem>>) offsets(%dma_start3A_75 : memref<80xi32, #tpu.memory_space<vmem>>) semaphore(%arg9 : memref<!tpu.dma_semaphore, #tpu.memory_space<semaphore_mem>>)
      } else {
      }
      %mul3A_40 = arith.constant 80 : i32
      %mul3A_41 = arith.muli %add3A_29, %mul3A_40 : i32
      %add3A_42 = arith.addi %mul3A_2, %mul3A_41 : i32
      %dma_start3A_43 = arith.constant 0 : i32
      %dma_start3A_44 = tpu.memref_slice %arg4[%add3A_42, %dma_start3A_43] : memref<30720x128xf32, #tpu.memory_space<hbm>> -> memref<80x128xf32, #tpu.memory_space<hbm>>
      %dma_start3A_45 = arith.constant 0 : i32
      %dma_start3A_46 = tpu.memref_slice %arg4[%add3A_42, %dma_start3A_45] : memref<30720x128xf32, #tpu.memory_space<hbm>> -> memref<80x128xf32, #tpu.memory_space<hbm>>
      tpu.enqueue_dma source(%arg6 : memref<80x128xf32, #tpu.memory_space<vmem>>) target(%dma_start3A_46 : memref<80x128xf32, #tpu.memory_space<hbm>>) target_semaphore(%arg10 : memref<!tpu.dma_semaphore, #tpu.memory_space<semaphore_mem>>)
      %add3A_47 = arith.constant 1 : i32
      %add3A_48 = arith.addi %mul3A_27, %add3A_47 : i32
      %mul3A_49 = arith.constant 80 : i32
      %mul3A_50 = arith.muli %add3A_48, %mul3A_49 : i32
      %dma_wait3A_51 = tpu.memref_slice %arg5[%mul3A_50] : memref<960xi32, #tpu.memory_space<vmem>> -> memref<80xi32, #tpu.memory_space<vmem>>
      %dma_wait3A_52 = arith.constant 0 : i32
      %dma_wait3A_53 = arith.constant 0 : i32
      %dma_wait3A_54 = tpu.memref_slice %arg2[%dma_wait3A_52, %dma_wait3A_53] : memref<1000x128xf32, #tpu.memory_space<hbm>> -> memref<1000x128xf32, #tpu.memory_space<hbm>>
      tpu.wait_indirect_dma semaphore(%arg9 : memref<!tpu.dma_semaphore, #tpu.memory_space<semaphore_mem>>) src(%dma_wait3A_54 : memref<1000x128xf32, #tpu.memory_space<hbm>>) dst(%arg7 : memref<80x128xf32, #tpu.memory_space<vmem>>)
      %add3A_55 = arith.constant 1 : i32
      %add3A_56 = arith.addi %add3A_48, %add3A_55 : i32
      %lt3A_57 = arith.constant 12 : i32
      %lt3A_58 = arith.cmpi slt, %add3A_56, %lt3A_57 : i32
      %convert_element_type3A_59 = arith.extui %lt3A_58 : i1 to i32
      %cond3A_60 = arith.constant 0 : i32
      %cond3A_61 = arith.cmpi ne, %convert_element_type3A_59, %cond3A_60 : i32
      scf.if %cond3A_61 {
        %ge3A = arith.constant 1 : i32
        %ge3A_69 = arith.cmpi sge, %add3A_48, %ge3A : i32
        %convert_element_type3A_70 = arith.extui %ge3A_69 : i1 to i32
        %cond3A_71 = arith.constant 0 : i32
        %cond3A_72 = arith.cmpi ne, %convert_element_type3A_70, %cond3A_71 : i32
        scf.if %cond3A_72 {
          %sub3A = arith.constant 1 : i32
          %sub3A_79 = arith.subi %add3A_48, %sub3A : i32
          %mul3A_80 = arith.constant 80 : i32
          %mul3A_81 = arith.muli %sub3A_79, %mul3A_80 : i32
          %add3A_82 = arith.addi %mul3A_2, %mul3A_81 : i32
          %dma_wait3A_83 = arith.constant 0 : i32
          %dma_wait3A_84 = tpu.memref_slice %arg4[%add3A_82, %dma_wait3A_83] : memref<30720x128xf32, #tpu.memory_space<hbm>> -> memref<80x128xf32, #tpu.memory_space<hbm>>
          %dma_wait3A_85 = arith.constant 0 : i32
          %dma_wait3A_86 = tpu.memref_slice %arg4[%add3A_82, %dma_wait3A_85] : memref<30720x128xf32, #tpu.memory_space<hbm>> -> memref<80x128xf32, #tpu.memory_space<hbm>>
          tpu.wait_dma2 semaphore(%arg10 : memref<!tpu.dma_semaphore, #tpu.memory_space<semaphore_mem>>) src(%arg6 : memref<80x128xf32, #tpu.memory_space<vmem>>) dst(%dma_wait3A_86 : memref<80x128xf32, #tpu.memory_space<hbm>>)
        } else {
        }
        %mul3A_73 = arith.constant 80 : i32
        %mul3A_74 = arith.muli %add3A_56, %mul3A_73 : i32
        %dma_start3A_75 = tpu.memref_slice %arg5[%mul3A_74] : memref<960xi32, #tpu.memory_space<vmem>> -> memref<80xi32, #tpu.memory_space<vmem>>
        %dma_start3A_76 = arith.constant 0 : i32
        %dma_start3A_77 = arith.constant 0 : i32
        %dma_start3A_78 = tpu.memref_slice %arg2[%dma_start3A_76, %dma_start3A_77] : memref<1000x128xf32, #tpu.memory_space<hbm>> -> memref<1000x128xf32, #tpu.memory_space<hbm>>
        tpu.enqueue_indirect_dma source(%dma_start3A_78 : memref<1000x128xf32, #tpu.memory_space<hbm>>) target(%arg6 : memref<80x128xf32, #tpu.memory_space<vmem>>) offsets(%dma_start3A_75 : memref<80xi32, #tpu.memory_space<vmem>>) semaphore(%arg8 : memref<!tpu.dma_semaphore, #tpu.memory_space<semaphore_mem>>)
      } else {
      }
      %mul3A_62 = arith.constant 80 : i32
      %mul3A_63 = arith.muli %add3A_48, %mul3A_62 : i32
      %add3A_64 = arith.addi %mul3A_2, %mul3A_63 : i32
      %dma_start3A_65 = arith.constant 0 : i32
      %dma_start3A_66 = tpu.memref_slice %arg4[%add3A_64, %dma_start3A_65] : memref<30720x128xf32, #tpu.memory_space<hbm>> -> memref<80x128xf32, #tpu.memory_space<hbm>>
      %dma_start3A_67 = arith.constant 0 : i32
      %dma_start3A_68 = tpu.memref_slice %arg4[%add3A_64, %dma_start3A_67] : memref<30720x128xf32, #tpu.memory_space<hbm>> -> memref<80x128xf32, #tpu.memory_space<hbm>>
      tpu.enqueue_dma source(%arg7 : memref<80x128xf32, #tpu.memory_space<vmem>>) target(%dma_start3A_68 : memref<80x128xf32, #tpu.memory_space<hbm>>) target_semaphore(%arg11 : memref<!tpu.dma_semaphore, #tpu.memory_space<semaphore_mem>>)
    }
    %scan3A_13 = arith.constant 6 : i32
    %add3A_14 = arith.constant 800 : i32
    %add3A_15 = arith.addi %mul3A_2, %add3A_14 : i32
    %dma_wait3A = arith.constant 0 : i32
    %dma_wait3A_16 = tpu.memref_slice %arg4[%add3A_15, %dma_wait3A] : memref<30720x128xf32, #tpu.memory_space<hbm>> -> memref<80x128xf32, #tpu.memory_space<hbm>>
    %dma_wait3A_17 = arith.constant 0 : i32
    %dma_wait3A_18 = tpu.memref_slice %arg4[%add3A_15, %dma_wait3A_17] : memref<30720x128xf32, #tpu.memory_space<hbm>> -> memref<80x128xf32, #tpu.memory_space<hbm>>
    tpu.wait_dma2 semaphore(%arg10 : memref<!tpu.dma_semaphore, #tpu.memory_space<semaphore_mem>>) src(%arg6 : memref<80x128xf32, #tpu.memory_space<vmem>>) dst(%dma_wait3A_18 : memref<80x128xf32, #tpu.memory_space<hbm>>)
    %add3A_19 = arith.constant 880 : i32
    %add3A_20 = arith.addi %mul3A_2, %add3A_19 : i32
    %dma_wait3A_21 = arith.constant 0 : i32
    %dma_wait3A_22 = tpu.memref_slice %arg4[%add3A_20, %dma_wait3A_21] : memref<30720x128xf32, #tpu.memory_space<hbm>> -> memref<80x128xf32, #tpu.memory_space<hbm>>
    %dma_wait3A_23 = arith.constant 0 : i32
    %dma_wait3A_24 = tpu.memref_slice %arg4[%add3A_20, %dma_wait3A_23] : memref<30720x128xf32, #tpu.memory_space<hbm>> -> memref<80x128xf32, #tpu.memory_space<hbm>>
    tpu.wait_dma2 semaphore(%arg11 : memref<!tpu.dma_semaphore, #tpu.memory_space<semaphore_mem>>) src(%arg7 : memref<80x128xf32, #tpu.memory_space<vmem>>) dst(%dma_wait3A_24 : memref<80x128xf32, #tpu.memory_space<hbm>>)
    return
  }
}

module attributes {stable_mosaic.version = 14 : i64} {
  func.func @_proj_kernel_first(%arg0: i32, %arg1: memref<128x1000xf32, #tpu.memory_space<vmem>>, %arg2: memref<1x1024x128xf32, #tpu.memory_space<vmem>>, %arg3: memref<1000x1xf32, #tpu.memory_space<vmem>>, %arg4: memref<1x1000x1024xf32, #tpu.memory_space<vmem>>) attributes {dimension_semantics = [#tpu.dimension_semantics<arbitrary>], iteration_bounds = array<i64: 20>, scalar_prefetch = 0 : i64, scratch_operands = 0 : i64, tpu.core_type = #tpu.core_type<tc>, window_params = [{pipeline_mode = #tpu.pipeline_mode<synchronous>, transform_indices = @transform_0, window_bounds = array<i64: 128, 1000>}, {transform_indices = @transform_1, window_bounds = array<i64: 1, 1024, 128>}, {pipeline_mode = #tpu.pipeline_mode<synchronous>, transform_indices = @transform_2, window_bounds = array<i64: 1000, 1>}, {transform_indices = @transform_3, window_bounds = array<i64: 1, 1000, 1024>}]} {
    %get3A = arith.constant 0 : index
    %get3A_0 = arith.constant 0 : index
    %get3A_1 = vector.load %arg1[%get3A, %get3A_0] : memref<128x1000xf32, #tpu.memory_space<vmem>>, vector<128x1000xf32>
    %get3A_2 = arith.constant 0 : index
    %get3A_3 = arith.constant 0 : index
    %get3A_4 = arith.constant 0 : index
    %get3A_5 = vector.load %arg2[%get3A_2, %get3A_3, %get3A_4] : memref<1x1024x128xf32, #tpu.memory_space<vmem>>, vector<1x1024x128xf32>
    %get3A_6 = vector.shape_cast %get3A_5 : vector<1x1024x128xf32> to vector<1024x128xf32>
    %dot_general3A = arith.constant dense<0.000000e+00> : vector<1000x1024xf32>
    %dot_general3A_7 = tpu.matmul %get3A_1, %get3A_6, %dot_general3A {dimension_numbers = #tpu.dot_dimension_numbers<[0], [1], [1], [0], [0, 1, 1, 0], [], []>, transpose_lhs_hint = false} : vector<128x1000xf32>, vector<1024x128xf32>, vector<1000x1024xf32> -> vector<1000x1024xf32>
    %get3A_8 = arith.constant 0 : index
    %get3A_9 = arith.constant 0 : index
    %get3A_10 = vector.load %arg3[%get3A_8, %get3A_9] : memref<1000x1xf32, #tpu.memory_space<vmem>>, vector<1000x1xf32>
    %add3A = vector.broadcast %get3A_10 : vector<1000x1xf32> to vector<1000x1024xf32>
    %add3A_11 = arith.addf %dot_general3A_7, %add3A : vector<1000x1024xf32>
    %swap3A = arith.constant 0 : index
    %swap3A_12 = arith.constant 0 : index
    %swap3A_13 = arith.constant 0 : index
    %swap3A_14 = vector.load %arg4[%swap3A, %swap3A_12, %swap3A_13] : memref<1x1000x1024xf32, #tpu.memory_space<vmem>>, vector<1x1000x1024xf32>
    %swap3A_15 = vector.shape_cast %swap3A_14 : vector<1x1000x1024xf32> to vector<1000x1024xf32>
    %swap3A_16 = vector.shape_cast %add3A_11 : vector<1000x1024xf32> to vector<1x1000x1024xf32>
    tpu.vector_store %arg4[%swap3A, %swap3A_12, %swap3A_13], %swap3A_16 {strides = array<i32>} : memref<1x1000x1024xf32, #tpu.memory_space<vmem>>, vector<1x1000x1024xf32>,
    return
  }
  func.func @transform_0(%arg0: i32) -> (i32, i32) {
    %c0_i32 = arith.constant 0 : i32
    %c0_i32_0 = arith.constant 0 : i32
    %c0_i32_1 = arith.constant 0 : i32
    return %c0_i32, %c0_i32_0 : i32, i32
  }
  func.func @transform_1(%arg0: i32) -> (i32, i32, i32) {
    %c0_i32 = arith.constant 0 : i32
    %c0_i32_0 = arith.constant 0 : i32
    %c0_i32_1 = arith.constant 0 : i32
    return %arg0, %c0_i32, %c0_i32_0 : i32, i32, i32
  }
  func.func @transform_2(%arg0: i32) -> (i32, i32) {
    %c0_i32 = arith.constant 0 : i32
    %c0_i32_0 = arith.constant 0 : i32
    %c0_i32_1 = arith.constant 0 : i32
    return %c0_i32, %c0_i32_0 : i32, i32
  }
  func.func @transform_3(%arg0: i32) -> (i32, i32, i32) {
    %add3A = arith.constant 0 : i32
    %add3A_0 = arith.addi %arg0, %add3A : i32
    %c0_i32 = arith.constant 0 : i32
    %c0_i32_1 = arith.constant 0 : i32
    %c0_i32_2 = arith.constant 0 : i32
    return %add3A_0, %c0_i32, %c0_i32_1 : i32, i32, i32
  }
}

module attributes {stable_mosaic.version = 14 : i64} {
  func.func @_proj_kernel_next(%arg0: i32, %arg1: memref<128x1000xf32, #tpu.memory_space<vmem>>, %arg2: memref<1x1024x128xf32, #tpu.memory_space<vmem>>, %arg3: memref<1000x1xf32, #tpu.memory_space<vmem>>, %arg4: memref<50x1000x1024xf32, #tpu.memory_space<any>>, %arg5: memref<1x1000x1024xf32, #tpu.memory_space<vmem>>) attributes {dimension_semantics = [#tpu.dimension_semantics<arbitrary>], iteration_bounds = array<i64: 30>, scalar_prefetch = 0 : i64, scratch_operands = 0 : i64, tpu.core_type = #tpu.core_type<tc>, window_params = [{pipeline_mode = #tpu.pipeline_mode<synchronous>, transform_indices = @transform_0, window_bounds = array<i64: 128, 1000>}, {transform_indices = @transform_1, window_bounds = array<i64: 1, 1024, 128>}, {pipeline_mode = #tpu.pipeline_mode<synchronous>, transform_indices = @transform_2, window_bounds = array<i64: 1000, 1>}, {}, {transform_indices = @transform_4, window_bounds = array<i64: 1, 1000, 1024>}]} {
    %get3A = arith.constant 0 : index
    %get3A_0 = arith.constant 0 : index
    %get3A_1 = vector.load %arg1[%get3A, %get3A_0] : memref<128x1000xf32, #tpu.memory_space<vmem>>, vector<128x1000xf32>
    %get3A_2 = arith.constant 0 : index
    %get3A_3 = arith.constant 0 : index
    %get3A_4 = arith.constant 0 : index
    %get3A_5 = vector.load %arg2[%get3A_2, %get3A_3, %get3A_4] : memref<1x1024x128xf32, #tpu.memory_space<vmem>>, vector<1x1024x128xf32>
    %get3A_6 = vector.shape_cast %get3A_5 : vector<1x1024x128xf32> to vector<1024x128xf32>
    %dot_general3A = arith.constant dense<0.000000e+00> : vector<1000x1024xf32>
    %dot_general3A_7 = tpu.matmul %get3A_1, %get3A_6, %dot_general3A {dimension_numbers = #tpu.dot_dimension_numbers<[0], [1], [1], [0], [0, 1, 1, 0], [], []>, transpose_lhs_hint = false} : vector<128x1000xf32>, vector<1024x128xf32>, vector<1000x1024xf32> -> vector<1000x1024xf32>
    %get3A_8 = arith.constant 0 : index
    %get3A_9 = arith.constant 0 : index
    %get3A_10 = vector.load %arg3[%get3A_8, %get3A_9] : memref<1000x1xf32, #tpu.memory_space<vmem>>, vector<1000x1xf32>
    %add3A = vector.broadcast %get3A_10 : vector<1000x1xf32> to vector<1000x1024xf32>
    %add3A_11 = arith.addf %dot_general3A_7, %add3A : vector<1000x1024xf32>
    %swap3A = arith.constant 0 : index
    %swap3A_12 = arith.constant 0 : index
    %swap3A_13 = arith.constant 0 : index
    %swap3A_14 = vector.load %arg5[%swap3A, %swap3A_12, %swap3A_13] : memref<1x1000x1024xf32, #tpu.memory_space<vmem>>, vector<1x1000x1024xf32>
    %swap3A_15 = vector.shape_cast %swap3A_14 : vector<1x1000x1024xf32> to vector<1000x1024xf32>
    %swap3A_16 = vector.shape_cast %add3A_11 : vector<1000x1024xf32> to vector<1x1000x1024xf32>
    tpu.vector_store %arg5[%swap3A, %swap3A_12, %swap3A_13], %swap3A_16 {strides = array<i32>} : memref<1x1000x1024xf32, #tpu.memory_space<vmem>>, vector<1x1000x1024xf32>,
    return
  }
  func.func @transform_0(%arg0: i32) -> (i32, i32) {
    %c0_i32 = arith.constant 0 : i32
    %c0_i32_0 = arith.constant 0 : i32
    %c0_i32_1 = arith.constant 0 : i32
    return %c0_i32, %c0_i32_0 : i32, i32
  }
  func.func @transform_1(%arg0: i32) -> (i32, i32, i32) {
    %c0_i32 = arith.constant 0 : i32
    %c0_i32_0 = arith.constant 0 : i32
    %c0_i32_1 = arith.constant 0 : i32
    return %arg0, %c0_i32, %c0_i32_0 : i32, i32, i32
  }
  func.func @transform_2(%arg0: i32) -> (i32, i32) {
    %c0_i32 = arith.constant 0 : i32
    %c0_i32_0 = arith.constant 0 : i32
    %c0_i32_1 = arith.constant 0 : i32
    return %c0_i32, %c0_i32_0 : i32, i32
  }
  func.func @transform_4(%arg0: i32) -> (i32, i32, i32) {
    %add3A = arith.constant 20 : i32
    %add3A_0 = arith.addi %arg0, %add3A : i32
    %c0_i32 = arith.constant 0 : i32
    %c0_i32_1 = arith.constant 0 : i32
    %c0_i32_2 = arith.constant 0 : i32
    return %add3A_0, %c0_i32, %c0_i32_1 : i32, i32, i32
  }
}

</mosaic_0001>

<sc_bundles>
// kernel: kernel.6.cloned.1.call-start
scs
__scs_entry_jumppad:
0x0: {  	(pc) =	sbr.rel $0x88, $3  }
0x1: {  	(tag) =	ssettag $0x0;
	lr =	simm.s32 $0x1  }
0x2: {  	[smem:$0x3F9D] =	sst lr;
	_ =	strace $0xD0000000  }
0x3: {  	_ = 	snop  }
0x4: {  	_ = 	snop  }
0x5: {  	_ = 	snop  }
0x6: {  	_ = 	snop  }
0x7: {  	_ = 	snop  }
__scs_overlays_trampoline_lowered:
0x8: {  	[smem:$0x3FAC] =	sst s0  }
0x9: {  	[smem:$0x3FAD] =	sst s1  }
0xa: {  	[smem:$0x3FAE] =	sst s2  }
0xb: {  	[smem:$0x3FAF] =	sst s3  }
0xc: {  	[smem:$0x3FB0] =	sst s4  }
0xd: {  	[smem:$0x3FB1] =	sst s5  }
0xe: {  	[smem:$0x3FB2] =	sst s6  }
0xf: {  	[smem:$0x3FB3] =	sst s7  }
0x10: {  	[smem:$0x3FB4] =	sst s8  }
0x11: {  	[smem:$0x3FB5] =	sst s9;
	s0 =	simm.s32 @!p0 $0x0  }
0x12: {  	s1 =	sld [smem:$0x3F9B];
	s0 =	simm.s32 @p0 $0x1  }
0x13: {  	[smem:$0x3FB6] =	sst s0;
	s0 =	simm.s32 @!p1 $0x0  }
0x14: {  	s2 =	sld [smem:$0x3F9A];
	s0 =	simm.s32 @p1 $0x1  }
0x15: {  	[smem:$0x3FB7] =	sst s0;
	s0 =	simm.s32 @!p2 $0x0  }
0x16: {  	s3 =	sld [smem:$0x3FDB];
	s0 =	simm.s32 @p2 $0x1  }
0x17: {  	s4 =	simm.s32 $0x1BF5;
	[smem:$0x3FB9] =	sst s0  }
0x18: {  	s0 =	sld [smem:$0x3F9C];
	_ =	swait.ge [sflag:s4], $0x0  }
0x19: {  	s7 =	sld [smem:$0x3F9D]  }
0x1a: {  	s8 =	sadd.s32 $0xFFFFE003, lr  }
0x1b: {  	s9 =	sadd.s32 $0xFFFFFEF7, lr;
	s5 =	simm.s32 $0xFFFFFFFF;
	p2 =	slt.u32 s8, $0xFFFFF086  }
0x1c: {  	p1 =	slt.u32 s9, $0xF7A;
	s5 =	simm.s32 @!p2 $0x0  }
0x1d: {  	s5 =	simm.s32 @p1 $0x1;
	p0 =	seq.s32 s7, s2  }
0x1e: {  	s7 =	smul.u32 @!p0 $0xF7A, s2;
	p2 =	seq.s32 @!p0 s5, $0x0  }
0x1f: {  	s9 =	smul.u32 $0xF7A, s1;
	s8 =	simm.s32 @!p0 $0x1BF5;
	p2 =	por !p2, p0  }
0x20: {  	[sflag:s8] =	ssyncset.s32 @!p0 $0xFFFFF086;
	s6 =	sadd.s32 @!p0 s3, s7;
	s7 =	simm.s32 @!p0 $0x108  }
0x21: {  	s3 =	sadd.s32 s3, s9;
	s6 =	sadd.s32 @!p0 $0x88, s6;
	s7 =	simm.s32 @p2 $0x1082  }
0x22: {  	[simem:s7], [sflag:s8] =	dma.local @!p0 [hbm:s6], $0xF7A  }
0x23: {  	s9 =	sor.u32 $0xD0000000, s2;
	s6 =	simm.s32 $0x108;
	_ =	swait.ge @!p0 [sflag:s8], $0x0  }
0x24: {  	s3 =	sadd.s32 $0x88, s3;
	s6 =	simm.s32 @!p1 $0x1082;
	[sflag:s4] =	ssyncset.s32 $0xFFFFF086  }
0x25: {  	[simem:s6], [sflag:s4] =	dma.local [hbm:s3], $0xF7A  }
0x26: {  	[smem:$0x3F9D] =	sst s1;
	(tag) =	ssettag s2;
	_ =	strace s9  }
0x27: {  	s1 =	sld [smem:$0x3FAD]  }
0x28: {  	s2 =	sld [smem:$0x3FAE]  }
0x29: {  	s4 =	sld [smem:$0x3FB0]  }
0x2a: {  	p0 =	seq.s32 s5, $0x0;
	s5 =	sld [smem:$0x3FB1]  }
0x2b: {  	s6 =	sld [smem:$0x3FB2]  }
0x2c: {  	s7 =	sld [smem:$0x3FB3]  }
0x2d: {  	s3 =	simm.s32 $0x108;
	s8 =	sld [smem:$0x3FB4]  }
0x2e: {  	s3 =	simm.s32 @!p0 $0x1082;
	s9 =	sld [smem:$0x3FB5]  }
0x2f: {  	lr =	sadd.s32 s0, s3;
	s0 =	sld [smem:$0x3FAC]  }
0x30: {  	s3 =	sld [smem:$0x3FAF]  }
0x31: {  	[smem:$0x3FB8] =	sst s10  }
0x32: {  	s10 =	sld [smem:$0x3FB6];
	_ =	sdelay $0x3  }
0x33: {  	p0 =	seq.s32 s10, $0x1;
	s10 =	sld [smem:$0x3FB8];
	_ =	sdelay $0x3  }
0x34: {  	[smem:$0x3FB8] =	sst s10  }
0x35: {  	s10 =	sld [smem:$0x3FB7];
	_ =	sdelay $0x3  }
0x36: {  	p1 =	seq.s32 s10, $0x1;
	s10 =	sld [smem:$0x3FB8];
	_ =	sdelay $0x3  }
0x37: {  	[smem:$0x3FB8] =	sst s10  }
0x38: {  	s10 =	sld [smem:$0x3FB9]  }
0x39: {  	_ = 	snop;
	(pc) =	sbr.ind lr, $3  }
0x3a: {  	_ = 	snop  }
0x3b: {  	_ = 	snop  }
0x3c: {  	p2 =	seq.s32 s10, $0x1;
	s10 =	sld [smem:$0x3FB8]  }
0x3d: {  	_ =	shalt  }
0x3e: {  	_ =	shalt  }
0x3f: {  	_ =	shalt  }
0x40: {  	_ =	shalt  }
0x41: {  	_ =	shalt  }
0x42: {  	_ =	shalt  }
0x43: {  	_ =	shalt  }
0x44: {  	_ =	shalt  }
0x45: {  	_ =	shalt  }
0x46: {  	_ =	shalt  }
0x47: {  	_ =	shalt  }
0x48: {  	_ =	shalt  }
0x49: {  	_ =	shalt  }
0x4a: {  	_ =	shalt  }
0x4b: {  	_ =	shalt  }
0x4c: {  	_ =	shalt  }
0x4d: {  	_ =	shalt  }
0x4e: {  	_ =	shalt  }
0x4f: {  	_ =	shalt  }
0x50: {  	_ =	shalt  }
0x51: {  	_ =	shalt  }
0x52: {  	_ =	shalt  }
0x53: {  	_ =	shalt  }
0x54: {  	_ =	shalt  }
0x55: {  	_ =	shalt  }
0x56: {  	_ =	shalt  }
0x57: {  	_ =	shalt  }
0x58: {  	_ =	shalt  }
0x59: {  	_ =	shalt  }
0x5a: {  	_ =	shalt  }
0x5b: {  	_ =	shalt  }
0x5c: {  	_ =	shalt  }
0x5d: {  	_ =	shalt  }
0x5e: {  	_ =	shalt  }
0x5f: {  	_ =	shalt  }
0x60: {  	_ =	shalt  }
0x61: {  	_ =	shalt  }
0x62: {  	_ =	shalt  }
0x63: {  	_ =	shalt  }
0x64: {  	_ =	shalt  }
0x65: {  	_ =	shalt  }
0x66: {  	_ =	shalt  }
0x67: {  	_ =	shalt  }
0x68: {  	_ =	shalt  }
0x69: {  	_ =	shalt  }
0x6a: {  	_ =	shalt  }
0x6b: {  	_ =	shalt  }
0x6c: {  	_ =	shalt  }
0x6d: {  	_ =	shalt  }
0x6e: {  	_ =	shalt  }
0x6f: {  	_ =	shalt  }
0x70: {  	_ =	shalt  }
0x71: {  	_ =	shalt  }
0x72: {  	_ =	shalt  }
0x73: {  	_ =	shalt  }
0x74: {  	_ =	shalt  }
0x75: {  	_ =	shalt  }
0x76: {  	_ =	shalt  }
0x77: {  	_ =	shalt  }
0x78: {  	_ =	shalt  }
0x79: {  	_ =	shalt  }
0x7a: {  	_ =	shalt  }
0x7b: {  	_ =	shalt  }
0x7c: {  	_ =	shalt  }
0x7d: {  	_ =	shalt  }
0x7e: {  	_ =	shalt  }
0x7f: {  	_ =	shalt  }
0x80: {  	_ =	shalt  }
0x81: {  	_ =	shalt  }
0x82: {  	_ =	shalt  }
0x83: {  	_ =	shalt  }
0x84: {  	_ =	shalt  }
0x85: {  	_ =	shalt  }
0x86: {  	_ =	shalt  }
0x87: {  	_ =	shalt  }
.Lfunc_end0:
.L_simem_size_0:
called_computation_lowered:
.L_overlay_start_0:
0x88: {  	s2 =	sld [smem:$0x3FD9]  }
0x89: {  	s3 =	sld [smem:$0x3FFE];
	_ =	sdelay $0x1  }
0x8a: {  	s1 =	srdreg.scid  }
0x8b: {  	s0 =	sand.u32 $0x1, s1  }
0x8c: {  	s17 =	sshll.u32 s0, $0xA;
	s2 =	sadd.s32 s3, s2  }
0x8d: {  	s2 =	sadd.s32 s2, s17  }
0x8e: {  	[smem:$0x3FC4] =	sst s2  }
0x8f: {  	_ = 	snop  }
0x90: {  	s2 =	sld [smem:$0x3FC8]  }
0x91: {  	s18 =	sld [smem:$0x3FD0];
	(tm) =	ssettm $0x1  }
0x92: {  	s4 =	sld [smem:$0x3FFB];
	_ =	sdelay $0x3  }
0x93: {  	_ =	strace s4  }
0x94: {  	s4 =	sld [smem:$0x3FFC];
	_ =	sdelay $0x3  }
0x95: {  	_ =	strace s4  }
0x96: {  	s4 =	sld [smem:$0x3FFD];
	_ =	sdelay $0x3  }
0x97: {  	_ =	strace s4  }
0x98: {  	_ =	strace $0x8FFFFFFF  }
0x99: {  	s19 =	sld [smem:$0x3FDB];
	_ =	sdelay $0x1  }
0x9a: {  	s5 =	simm.s32 $_scs_section_size  }
0x9b: {  	s6 =	simm.s32 $_size__tile_overlayer_lowered;
	s7 =	simm.s32 $_tile_overlayer_lowered  }
0x9c: {  	s22 =	simm.s32 $0x1BFF;
	s21 =	sshll.u32 s7, $0x1;
	s4 =	sadd.s32 s5, s19  }
0x9d: {  	s8 =	simm.s32 $0x0;
	s20 =	sshll.u32 s6, $0x1;
	s6 =	sadd.s32 s21, s4  }
0x9e: {  	[timem:s8], [sflag:s22] =	dma.local [hbm:s6], s20  }
0x9f: {  	_ =	swait.ge [sflag:s22], s20  }
0xa0: {  	s5 =	ssub.s32 $0x0, s20;
	[sflag:s22] =	ssyncset.done $0x0  }
0xa1: {  	[sflag:s22] =	ssyncadd.s32 s5;
	_ =	sdelay $0x1  }
0xa2: {  	s23 =	simm.s32 $0x1B8B  }
0xa3: {  	_ =	swait.ge [sflag:s23], $0x1  }
0xa4: {  	[sflag:s23] =	ssyncset.done $0x0  }
0xa5: {  	s25 =	simm.s32 $0x1B8E;
	s24 =	sld [smem:$0x3FFE];
	[sflag:s23] =	ssyncadd.s32 $0xFFFFFFFF  }
0xa6: {  	s26 =	simm.s32 $execute0_lowered;
	[smem:$0x3FD2] =	sst s25  }
0xa7: {  	s6 =	sshll.u32 s26, $0x1;
	_ =	strace $0x80000046;
	[dreg:$0x1] =	wrdreg $0xFFFFFFFF  }
0xa8: {  	s28 =	simm.s32 $_size_execute0_lowered;
	s4 =	sadd.s32 s4, s6;
	[dreg:$0x0] =	wrdreg $0x0  }
0xa9: {  	s6 =	sshll.u32 s28, $0x1;
	[dreg:$0x2] =	wrdreg s4  }
0xaa: {  	[dreg:$0x3] =	wrdreg s6  }
0xab: {  	[dreg:$0x4] =	wrdreg $0xC0  }
0xac: {  	_ =	task [dreg:s8], $0x5FFFF  }
0xad: {  	[dreg:$0x1] =	wrdreg $0xFFFFFFFF  }
0xae: {  	[dreg:$0x0] =	wrdreg $0x60  }
0xaf: {  	[dreg:$0x2] =	wrdreg s2  }
0xb0: {  	[dreg:$0x3] =	wrdreg s24  }
0xb1: {  	[dreg:$0x4] =	wrdreg s18  }
0xb2: {  	[dreg:$0x5] =	wrdreg $0x9  }
0xb3: {  	_ =	task.clear_ibuf [dreg:s8], $0x6FFFF;
	_ =	strace $0x90000046  }
0xb4: {  	s29 =	simm.s32 $0x9;
	_ =	strace $0x80000048  }
0xb5: {  	_ =	swait.ge [sflag:s29], $0x1  }
0xb6: {  	[sflag:s29] =	ssyncadd.s32 $0xFFFFFFFF  }
0xb7: {  	_ =	strace $0x90000048  }
0xb8: {  	_ =	sfence  }
0xb9: {  	s30 =	sld [smem:$0x0];
	_ =	sdelay $0x2  }
0xba: {  	s31 =	sshll.u32 s1, $0xD;
	s1 =	sshrl.u32 s1, $0x2  }
0xbb: {  	s3 =	sand.u32 $0x4000, s31;
	s1 =	sadd.s32 s1, s30  }
0xbc: {  	s0 =	sor.u32 s3, s0;
	s1 =	sshll.u32 s1, $0x11  }
0xbd: {  	s0 =	sor.u32 s1, s0  }
0xbe: {  	s0 =	sadd.s32 $0x8F2B, s0  }
0xbf: {  	[sflag:s0] =	ssyncadd.remote.s32 $0x1  }
0xc0: {  	_ =	sfence.sel $0xFFFF  }
0xc1: {  	[dreg:$0x0] =	wrdreg $0xFFFFFFFF;
	(pc) =	sbr.abs _section_cstart, $3  }
0xc2: {  	[dreg:$0x1] =	wrdreg $0xFFFFFFFF  }
0xc3: {  	_ =	task.clear_ibuf [dreg:s8], $0x2FFFF;
	_ =	strace $0x9FFFFFFF  }
0xc4: {  	(tm) =	ssettm $0x7FFFFFFF  }
0xc5: {  	_ =	shalt  }
tec
execute0_lowered:
.L_overlay_start_1:
0x0: {  	(tag) =	ssettag $0x1  }
0x1: {  	s1 =	srdreg.scid;
	s0 =	stileid.u32  }
0x2: {  	s2 =	rddreg [dreg:$0x0];
	s26 =	sand.u32 $0x1, s1;
	s31 =	sshll.u32 s0, $0x1  }
0x3: {  	s4 =	rddreg [dreg:$0x1];
	s9 =	sor.u32 s26, s31  }
0x4: {  	s10 =	rddreg [dreg:$0x2];
	s5 =	smul.u32 $0x50, s9  }
0x5: {  	s3 =	simm.s32 $0x0;
	s1 =	rddreg [dreg:$0x3]  }
0x6: {  	[smem:$0x7FF] =	sst s3;
	s4 =	sadd.s32 s5, s4  }
0x7: {  	_ =	strace $0x80000047;
	s5 =	simm.s32 $0x5;
	s4 =	sadd.s32 $0xC00, s4  }
0x8: {  	[tilespmem:s3], [sflag:$0x5] =	stream.linear.gather [hbm4b:s4+s3], $0x280, $0x38;
	[tilespmem:$0x5280] =	vst v63  }
0x9: {  	_ =	swait.ge [sflag:s5], $0x280  }
0xa: {  	s6 =	simm.s32 $0x50;
	[sflag:s5] =	ssyncset.done $0x0  }
0xb: {  	s7 =	simm.s32 $0x280;
	s8 =	simm.s32 $0x1;
	[sflag:s5] =	ssyncadd.s32 $0xFFFFFD80  }
0xc: {  	[tilespmem:s7], [sflag:$0x1] =	stream.indirect.gather [hbm4b:s2+s6], $0x80, s3, s6, $0xb8;
	[tilespmem:$0x5280] =	vst v63  }
0xd: {  	_ =	swait.ge [sflag:s8], $0x2800  }
0xe: {  	[sflag:s8] =	ssyncset.done $0x0  }
0xf: {  	s11 =	smul.u32 $0x2800, s9;
	s9 =	simm.s32 $0x2A80;
	[sflag:s8] =	ssyncadd.s32 $0xFFFFD800  }
0x10: {  	[tilespmem:s9], [sflag:$0x2] =	stream.indirect.gather [hbm4b:s2+s6], $0x80, s6, s6, $0xb8;
	[tilespmem:$0x5280] =	vst v63  }
0x11: {  	s10 =	sadd.s32 s10, s11;
	s11 =	simm.s32 $0x2  }
0x12: {  	[hbm4b:s10+s3] =	stream.linear.scatter [tilespmem:s7], [sflag:$0x3], $0x2800, $0x38;
	[tilespmem:$0x5280] =	vst v63  }
0x13: {  	_ =	swait.ge [sflag:s11], $0x2800  }
0x14: {  	[sflag:s11] =	ssyncset.done $0x0  }
0x15: {  	s12 =	simm.s32 $0x3;
	[sflag:s11] =	ssyncadd.s32 $0xFFFFD800  }
0x16: {  	_ =	swait.ge [sflag:s12], $0x2800  }
0x17: {  	[sflag:s12] =	ssyncset.done $0x0  }
0x18: {  	s13 =	simm.s32 $0xA0;
	[sflag:s12] =	ssyncadd.s32 $0xFFFFD800  }
0x19: {  	[tilespmem:s7], [sflag:$0x1] =	stream.indirect.gather [hbm4b:s2+s6], $0x80, s13, s6, $0xb8;
	[tilespmem:$0x5280] =	vst v63  }
0x1a: {  	s14 =	sadd.s32 $0x500, s10  }
0x1b: {  	[hbm4b:s14+s3] =	stream.linear.scatter [tilespmem:s9], [sflag:$0x4], $0x2800, $0x38;
	[tilespmem:$0x5280] =	vst v63  }
0x1c: {  	_ =	swait.ge [sflag:s8], $0x2800  }
0x1d: {  	[sflag:s8] =	ssyncset.done $0x0  }
0x1e: {  	s15 =	simm.s32 $0x4;
	[sflag:s8] =	ssyncadd.s32 $0xFFFFD800  }
0x1f: {  	_ =	swait.ge [sflag:s15], $0x2800  }
0x20: {  	[sflag:s15] =	ssyncset.done $0x0  }
0x21: {  	s16 =	simm.s32 $0xF0;
	[sflag:s15] =	ssyncadd.s32 $0xFFFFD800  }
0x22: {  	[tilespmem:s9], [sflag:$0x2] =	stream.indirect.gather [hbm4b:s2+s6], $0x80, s16, s6, $0xb8;
	[tilespmem:$0x5280] =	vst v63  }
0x23: {  	s17 =	sadd.s32 $0xA00, s10  }
0x24: {  	[hbm4b:s17+s3] =	stream.linear.scatter [tilespmem:s7], [sflag:$0x3], $0x2800, $0x38;
	[tilespmem:$0x5280] =	vst v63  }
0x25: {  	_ =	swait.ge [sflag:s11], $0x2800  }
0x26: {  	[sflag:s11] =	ssyncset.done $0x0  }
0x27: {  	[sflag:s11] =	ssyncadd.s32 $0xFFFFD800  }
0x28: {  	_ =	swait.ge [sflag:s12], $0x2800  }
0x29: {  	[sflag:s12] =	ssyncset.done $0x0  }
0x2a: {  	s18 =	simm.s32 $0x140;
	[sflag:s12] =	ssyncadd.s32 $0xFFFFD800  }
0x2b: {  	[tilespmem:s7], [sflag:$0x1] =	stream.indirect.gather [hbm4b:s2+s6], $0x80, s18, s6, $0xb8;
	[tilespmem:$0x5280] =	vst v63  }
0x2c: {  	s19 =	sadd.s32 $0xF00, s10  }
0x2d: {  	[hbm4b:s19+s3] =	stream.linear.scatter [tilespmem:s9], [sflag:$0x4], $0x2800, $0x38;
	[tilespmem:$0x5280] =	vst v63  }
0x2e: {  	_ =	swait.ge [sflag:s8], $0x2800  }
0x2f: {  	[sflag:s8] =	ssyncset.done $0x0  }
0x30: {  	[sflag:s8] =	ssyncadd.s32 $0xFFFFD800  }
0x31: {  	_ =	swait.ge [sflag:s15], $0x2800  }
0x32: {  	[sflag:s15] =	ssyncset.done $0x0  }
0x33: {  	s20 =	simm.s32 $0x190;
	[sflag:s15] =	ssyncadd.s32 $0xFFFFD800  }
0x34: {  	[tilespmem:s9], [sflag:$0x2] =	stream.indirect.gather [hbm4b:s2+s6], $0x80, s20, s6, $0xb8;
	[tilespmem:$0x5280] =	vst v63  }
0x35: {  	s21 =	sadd.s32 $0x1400, s10  }
0x36: {  	[hbm4b:s21+s3] =	stream.linear.scatter [tilespmem:s7], [sflag:$0x3], $0x2800, $0x38;
	[tilespmem:$0x5280] =	vst v63  }
0x37: {  	_ =	swait.ge [sflag:s11], $0x2800  }
0x38: {  	[sflag:s11] =	ssyncset.done $0x0  }
0x39: {  	[sflag:s11] =	ssyncadd.s32 $0xFFFFD800  }
0x3a: {  	_ =	swait.ge [sflag:s12], $0x2800  }
0x3b: {  	[sflag:s12] =	ssyncset.done $0x0  }
0x3c: {  	s22 =	simm.s32 $0x1E0;
	[sflag:s12] =	ssyncadd.s32 $0xFFFFD800  }
0x3d: {  	[tilespmem:s7], [sflag:$0x1] =	stream.indirect.gather [hbm4b:s2+s6], $0x80, s22, s6, $0xb8;
	[tilespmem:$0x5280] =	vst v63  }
0x3e: {  	s23 =	sadd.s32 $0x1900, s10  }
0x3f: {  	[hbm4b:s23+s3] =	stream.linear.scatter [tilespmem:s9], [sflag:$0x4], $0x2800, $0x38;
	[tilespmem:$0x5280] =	vst v63  }
0x40: {  	_ =	swait.ge [sflag:s8], $0x2800  }
0x41: {  	[sflag:s8] =	ssyncset.done $0x0  }
0x42: {  	[sflag:s8] =	ssyncadd.s32 $0xFFFFD800  }
0x43: {  	_ =	swait.ge [sflag:s15], $0x2800  }
0x44: {  	[sflag:s15] =	ssyncset.done $0x0  }
0x45: {  	s24 =	simm.s32 $0x230;
	s28 =	ssub.s32 $0x2, s26;
	[sflag:s15] =	ssyncadd.s32 $0xFFFFD800  }
0x46: {  	[tilespmem:s9], [sflag:$0x2] =	stream.indirect.gather [hbm4b:s2+s6], $0x80, s24, s6, $0xb8;
	[tilespmem:$0x5280] =	vst v63  }
0x47: {  	s29 =	sshrl.u32 s28, $0x1;
	s25 =	sadd.s32 $0x1E00, s10  }
0x48: {  	[hbm4b:s25+s3] =	stream.linear.scatter [tilespmem:s7], [sflag:$0x3], $0x2800, $0x38;
	[tilespmem:$0x5280] =	vst v63  }
0x49: {  	s28 =	ssub.s32 s28, s29;
	_ =	swait.ge [sflag:s11], $0x2800  }
0x4a: {  	s28 =	smax.u32 s28, $0x1;
	[sflag:s11] =	ssyncset.done $0x0  }
0x4b: {  	s26 =	sadd.s32 $0x2300, s10;
	p0 =	sne.s32 s28, $0x1;
	[sflag:s11] =	ssyncadd.s32 $0xFFFFD800  }
0x4c: {  	[hbm4b:s26+s3] =	stream.linear.scatter [tilespmem:s9], [sflag:$0x4], $0x2800, $0x38;
	[tilespmem:$0x5280] =	vst v63  }
.Ltmp0:
0x4d: {  	_ =	swait.ge [sflag:s12], $0x2800;
	(pc) =	sbr.rel @!p0 .LBB2_2-.Ltmp0, $4  }
0x4e: {  	[sflag:s12] =	ssyncset.done $0x0  }
0x4f: {  	[sflag:s12] =	ssyncadd.s32 $0xFFFFD800  }
0x50: {  	_ =	swait.ge [sflag:s15], $0x2800  }
0x51: {  	s28 =	sadd.s32 $0xFFFFFFFF, s28;
	[sflag:s15] =	ssyncset.done $0x0  }
.LBB2_1:
0x52: {  	p0 =	sne.s32 s28, $0x1;
	s28 =	sadd.s32 $0xFFFFFFFF, s28;
	[sflag:s15] =	ssyncadd.s32 $0xFFFFD800  }
0x53: {  	[tilespmem:s3], [sflag:$0x5] =	stream.linear.gather [hbm4b:s4+s3], $0x280, $0x38;
	[tilespmem:$0x5280] =	vst v63  }
0x54: {  	_ =	swait.ge [sflag:s5], $0x280  }
0x55: {  	[sflag:s5] =	ssyncset.done $0x0  }
0x56: {  	[sflag:s5] =	ssyncadd.s32 $0xFFFFFD80  }
0x57: {  	[tilespmem:s7], [sflag:$0x1] =	stream.indirect.gather [hbm4b:s2+s6], $0x80, s3, s6, $0xb8;
	[tilespmem:$0x5280] =	vst v63  }
0x58: {  	_ =	swait.ge [sflag:s8], $0x2800  }
0x59: {  	[sflag:s8] =	ssyncset.done $0x0  }
0x5a: {  	[sflag:s8] =	ssyncadd.s32 $0xFFFFD800  }
0x5b: {  	[tilespmem:s9], [sflag:$0x2] =	stream.indirect.gather [hbm4b:s2+s6], $0x80, s6, s6, $0xb8;
	[tilespmem:$0x5280] =	vst v63  }
0x5c: {  	_ = 	snop  }
0x5d: {  	[hbm4b:s10+s3] =	stream.linear.scatter [tilespmem:s7], [sflag:$0x3], $0x2800, $0x38;
	[tilespmem:$0x5280] =	vst v63  }
0x5e: {  	_ =	swait.ge [sflag:s11], $0x2800  }
0x5f: {  	[sflag:s11] =	ssyncset.done $0x0  }
0x60: {  	[sflag:s11] =	ssyncadd.s32 $0xFFFFD800  }
0x61: {  	_ =	swait.ge [sflag:s12], $0x2800  }
0x62: {  	[sflag:s12] =	ssyncset.done $0x0  }
0x63: {  	[sflag:s12] =	ssyncadd.s32 $0xFFFFD800  }
0x64: {  	[tilespmem:s7], [sflag:$0x1] =	stream.indirect.gather [hbm4b:s2+s6], $0x80, s13, s6, $0xb8;
	[tilespmem:$0x5280] =	vst v63  }
0x65: {  	_ = 	snop  }
0x66: {  	[hbm4b:s14+s3] =	stream.linear.scatter [tilespmem:s9], [sflag:$0x4], $0x2800, $0x38;
	[tilespmem:$0x5280] =	vst v63  }
0x67: {  	_ =	swait.ge [sflag:s8], $0x2800  }
0x68: {  	[sflag:s8] =	ssyncset.done $0x0  }
0x69: {  	[sflag:s8] =	ssyncadd.s32 $0xFFFFD800  }
0x6a: {  	_ =	swait.ge [sflag:s15], $0x2800  }
0x6b: {  	[sflag:s15] =	ssyncset.done $0x0  }
0x6c: {  	[sflag:s15] =	ssyncadd.s32 $0xFFFFD800  }
0x6d: {  	[tilespmem:s9], [sflag:$0x2] =	stream.indirect.gather [hbm4b:s2+s6], $0x80, s16, s6, $0xb8;
	[tilespmem:$0x5280] =	vst v63  }
0x6e: {  	_ = 	snop  }
0x6f: {  	[hbm4b:s17+s3] =	stream.linear.scatter [tilespmem:s7], [sflag:$0x3], $0x2800, $0x38;
	[tilespmem:$0x5280] =	vst v63  }
0x70: {  	_ =	swait.ge [sflag:s11], $0x2800  }
0x71: {  	[sflag:s11] =	ssyncset.done $0x0  }
0x72: {  	[sflag:s11] =	ssyncadd.s32 $0xFFFFD800  }
0x73: {  	_ =	swait.ge [sflag:s12], $0x2800  }
0x74: {  	[sflag:s12] =	ssyncset.done $0x0  }
0x75: {  	[sflag:s12] =	ssyncadd.s32 $0xFFFFD800  }
0x76: {  	[tilespmem:s7], [sflag:$0x1] =	stream.indirect.gather [hbm4b:s2+s6], $0x80, s18, s6, $0xb8;
	[tilespmem:$0x5280] =	vst v63  }
0x77: {  	_ = 	snop  }
0x78: {  	[hbm4b:s19+s3] =	stream.linear.scatter [tilespmem:s9], [sflag:$0x4], $0x2800, $0x38;
	[tilespmem:$0x5280] =	vst v63  }
0x79: {  	_ =	swait.ge [sflag:s8], $0x2800  }
0x7a: {  	[sflag:s8] =	ssyncset.done $0x0  }
0x7b: {  	[sflag:s8] =	ssyncadd.s32 $0xFFFFD800  }
0x7c: {  	_ =	swait.ge [sflag:s15], $0x2800  }
0x7d: {  	[sflag:s15] =	ssyncset.done $0x0  }
0x7e: {  	[sflag:s15] =	ssyncadd.s32 $0xFFFFD800  }
0x7f: {  	[tilespmem:s9], [sflag:$0x2] =	stream.indirect.gather [hbm4b:s2+s6], $0x80, s20, s6, $0xb8;
	[tilespmem:$0x5280] =	vst v63  }
0x80: {  	_ = 	snop  }
0x81: {  	[hbm4b:s21+s3] =	stream.linear.scatter [tilespmem:s7], [sflag:$0x3], $0x2800, $0x38;
	[tilespmem:$0x5280] =	vst v63  }
0x82: {  	_ =	swait.ge [sflag:s11], $0x2800  }
0x83: {  	[sflag:s11] =	ssyncset.done $0x0  }
0x84: {  	[sflag:s11] =	ssyncadd.s32 $0xFFFFD800  }
0x85: {  	_ =	swait.ge [sflag:s12], $0x2800  }
0x86: {  	[sflag:s12] =	ssyncset.done $0x0  }
0x87: {  	[sflag:s12] =	ssyncadd.s32 $0xFFFFD800  }
0x88: {  	[tilespmem:s7], [sflag:$0x1] =	stream.indirect.gather [hbm4b:s2+s6], $0x80, s22, s6, $0xb8;
	[tilespmem:$0x5280] =	vst v63  }
0x89: {  	_ = 	snop  }
0x8a: {  	[hbm4b:s23+s3] =	stream.linear.scatter [tilespmem:s9], [sflag:$0x4], $0x2800, $0x38;
	[tilespmem:$0x5280] =	vst v63  }
0x8b: {  	_ =	swait.ge [sflag:s8], $0x2800  }
0x8c: {  	[sflag:s8] =	ssyncset.done $0x0  }
0x8d: {  	[sflag:s8] =	ssyncadd.s32 $0xFFFFD800  }
0x8e: {  	_ =	swait.ge [sflag:s15], $0x2800  }
0x8f: {  	[sflag:s15] =	ssyncset.done $0x0  }
0x90: {  	[sflag:s15] =	ssyncadd.s32 $0xFFFFD800  }
0x91: {  	[tilespmem:s9], [sflag:$0x2] =	stream.indirect.gather [hbm4b:s2+s6], $0x80, s24, s6, $0xb8;
	[tilespmem:$0x5280] =	vst v63  }
0x92: {  	_ = 	snop  }
0x93: {  	[hbm4b:s25+s3] =	stream.linear.scatter [tilespmem:s7], [sflag:$0x3], $0x2800, $0x38;
	[tilespmem:$0x5280] =	vst v63  }
0x94: {  	_ =	swait.ge [sflag:s11], $0x2800  }
0x95: {  	[sflag:s11] =	ssyncset.done $0x0  }
0x96: {  	[sflag:s11] =	ssyncadd.s32 $0xFFFFD800  }
0x97: {  	[hbm4b:s26+s3] =	stream.linear.scatter [tilespmem:s9], [sflag:$0x4], $0x2800, $0x38;
	[tilespmem:$0x5280] =	vst v63  }
.Ltmp1:
0x98: {  	_ =	swait.ge [sflag:s12], $0x2800;
	(pc) =	sbr.rel @p0 .LBB2_1-.Ltmp1, $4  }
0x99: {  	[sflag:s12] =	ssyncset.done $0x0  }
0x9a: {  	[sflag:s12] =	ssyncadd.s32 $0xFFFFD800  }
0x9b: {  	_ =	swait.ge [sflag:s15], $0x2800  }
0x9c: {  	[sflag:s15] =	ssyncset.done $0x0  }
.LBB2_2:
0x9d: {  	[sflag:s15] =	ssyncadd.s32 $0xFFFFD800  }
0x9e: {  	_ =	sfence.sel $0x180000  }
0x9f: {  	[bflag:$0x0] =	sbarrier.arrive $0xFFFF  }
0xa0: {  	p0 =	sne.s32 s0, $0x0;
	_ =	strace $0x90000047  }
0xa1: {  	s0 =	sadd.s32 @!p0 $0x100000, s1;
	[bflag:$0x2] =	sbarrier.arrive $0xFFFF  }
0xa2: {  	[sflag:s0] =	ssyncadd.tile.s32 @!p0 $0x1;
	_ =	shalt  }
.Lfunc_end2:
_tile_overlayer_lowered:
.L_overlay_start_2:
0xa3: {  	(tag) =	ssettag $0x2  }
0xa4: {  	s0 =	rddreg [dreg:$0x0];
	s2 =	stileid.u32  }
0xa5: {  	s1 =	rddreg [dreg:$0x1];
	p0 =	sne.s32 s2, $0x0  }
0xa6: {  	s3 =	rddreg [dreg:$0x2];
	[bflag:$0x3] =	sbarrier.arrive $0xFFFF;
	s2 =	simm.s32 @!p0 $0x1C05  }
0xa7: {  	[timem:s3], [sflag:s2] =	dma.local @!p0 [hbm:s0], s1  }
0xa8: {  	s0 =	simm.s32 @!p0 $0x5  }
0xa9: {  	_ =	swait.ge @!p0 [sflag:s0], s1  }
0xaa: {  	s1 =	ssub.s32 @!p0 $0x0, s1;
	[sflag:s0] =	ssyncset.done @!p0 $0x0  }
0xab: {  	[sflag:s0] =	ssyncadd.s32 @!p0 s1  }
0xac: {  	[bflag:$0x3] =	sbarrier.arrive $0xFFFF  }
0xad: {  	_ =	shalt  }

// kernel: kernel.9.cloned.1.call-start
scs
__scs_entry_jumppad:
0x0: {  	(pc) =	sbr.rel $0x88, $3  }
0x1: {  	(tag) =	ssettag $0x0;
	lr =	simm.s32 $0x1  }
0x2: {  	[smem:$0x3F9D] =	sst lr;
	_ =	strace $0xD0000000  }
0x3: {  	_ = 	snop  }
0x4: {  	_ = 	snop  }
0x5: {  	_ = 	snop  }
0x6: {  	_ = 	snop  }
0x7: {  	_ = 	snop  }
__scs_overlays_trampoline_lowered:
0x8: {  	[smem:$0x3FAC] =	sst s0  }
0x9: {  	[smem:$0x3FAD] =	sst s1  }
0xa: {  	[smem:$0x3FAE] =	sst s2  }
0xb: {  	[smem:$0x3FAF] =	sst s3  }
0xc: {  	[smem:$0x3FB0] =	sst s4  }
0xd: {  	[smem:$0x3FB1] =	sst s5  }
0xe: {  	[smem:$0x3FB2] =	sst s6  }
0xf: {  	[smem:$0x3FB3] =	sst s7  }
0x10: {  	[smem:$0x3FB4] =	sst s8  }
0x11: {  	[smem:$0x3FB5] =	sst s9;
	s0 =	simm.s32 @!p0 $0x0  }
0x12: {  	s1 =	sld [smem:$0x3F9B];
	s0 =	simm.s32 @p0 $0x1  }
0x13: {  	[smem:$0x3FB6] =	sst s0;
	s0 =	simm.s32 @!p1 $0x0  }
0x14: {  	s2 =	sld [smem:$0x3F9A];
	s0 =	simm.s32 @p1 $0x1  }
0x15: {  	[smem:$0x3FB7] =	sst s0;
	s0 =	simm.s32 @!p2 $0x0  }
0x16: {  	s3 =	sld [smem:$0x3FDB];
	s0 =	simm.s32 @p2 $0x1  }
0x17: {  	s4 =	simm.s32 $0x1BF5;
	[smem:$0x3FB9] =	sst s0  }
0x18: {  	s0 =	sld [smem:$0x3F9C];
	_ =	swait.ge [sflag:s4], $0x0  }
0x19: {  	s7 =	sld [smem:$0x3F9D]  }
0x1a: {  	s8 =	sadd.s32 $0xFFFFE003, lr  }
0x1b: {  	s9 =	sadd.s32 $0xFFFFFEF7, lr;
	s5 =	simm.s32 $0xFFFFFFFF;
	p2 =	slt.u32 s8, $0xFFFFF086  }
0x1c: {  	p1 =	slt.u32 s9, $0xF7A;
	s5 =	simm.s32 @!p2 $0x0  }
0x1d: {  	s5 =	simm.s32 @p1 $0x1;
	p0 =	seq.s32 s7, s2  }
0x1e: {  	s7 =	smul.u32 @!p0 $0xF7A, s2;
	p2 =	seq.s32 @!p0 s5, $0x0  }
0x1f: {  	s9 =	smul.u32 $0xF7A, s1;
	s8 =	simm.s32 @!p0 $0x1BF5;
	p2 =	por !p2, p0  }
0x20: {  	[sflag:s8] =	ssyncset.s32 @!p0 $0xFFFFF086;
	s6 =	sadd.s32 @!p0 s3, s7;
	s7 =	simm.s32 @!p0 $0x108  }
0x21: {  	s3 =	sadd.s32 s3, s9;
	s6 =	sadd.s32 @!p0 $0x88, s6;
	s7 =	simm.s32 @p2 $0x1082  }
0x22: {  	[simem:s7], [sflag:s8] =	dma.local @!p0 [hbm:s6], $0xF7A  }
0x23: {  	s9 =	sor.u32 $0xD0000000, s2;
	s6 =	simm.s32 $0x108;
	_ =	swait.ge @!p0 [sflag:s8], $0x0  }
0x24: {  	s3 =	sadd.s32 $0x88, s3;
	s6 =	simm.s32 @!p1 $0x1082;
	[sflag:s4] =	ssyncset.s32 $0xFFFFF086  }
0x25: {  	[simem:s6], [sflag:s4] =	dma.local [hbm:s3], $0xF7A  }
0x26: {  	[smem:$0x3F9D] =	sst s1;
	(tag) =	ssettag s2;
	_ =	strace s9  }
0x27: {  	s1 =	sld [smem:$0x3FAD]  }
0x28: {  	s2 =	sld [smem:$0x3FAE]  }
0x29: {  	s4 =	sld [smem:$0x3FB0]  }
0x2a: {  	p0 =	seq.s32 s5, $0x0;
	s5 =	sld [smem:$0x3FB1]  }
0x2b: {  	s6 =	sld [smem:$0x3FB2]  }
0x2c: {  	s7 =	sld [smem:$0x3FB3]  }
0x2d: {  	s3 =	simm.s32 $0x108;
	s8 =	sld [smem:$0x3FB4]  }
0x2e: {  	s3 =	simm.s32 @!p0 $0x1082;
	s9 =	sld [smem:$0x3FB5]  }
0x2f: {  	lr =	sadd.s32 s0, s3;
	s0 =	sld [smem:$0x3FAC]  }
0x30: {  	s3 =	sld [smem:$0x3FAF]  }
0x31: {  	[smem:$0x3FB8] =	sst s10  }
0x32: {  	s10 =	sld [smem:$0x3FB6];
	_ =	sdelay $0x3  }
0x33: {  	p0 =	seq.s32 s10, $0x1;
	s10 =	sld [smem:$0x3FB8];
	_ =	sdelay $0x3  }
0x34: {  	[smem:$0x3FB8] =	sst s10  }
0x35: {  	s10 =	sld [smem:$0x3FB7];
	_ =	sdelay $0x3  }
0x36: {  	p1 =	seq.s32 s10, $0x1;
	s10 =	sld [smem:$0x3FB8];
	_ =	sdelay $0x3  }
0x37: {  	[smem:$0x3FB8] =	sst s10  }
0x38: {  	s10 =	sld [smem:$0x3FB9]  }
0x39: {  	_ = 	snop;
	(pc) =	sbr.ind lr, $3  }
0x3a: {  	_ = 	snop  }
0x3b: {  	_ = 	snop  }
0x3c: {  	p2 =	seq.s32 s10, $0x1;
	s10 =	sld [smem:$0x3FB8]  }
0x3d: {  	_ =	shalt  }
0x3e: {  	_ =	shalt  }
0x3f: {  	_ =	shalt  }
0x40: {  	_ =	shalt  }
0x41: {  	_ =	shalt  }
0x42: {  	_ =	shalt  }
0x43: {  	_ =	shalt  }
0x44: {  	_ =	shalt  }
0x45: {  	_ =	shalt  }
0x46: {  	_ =	shalt  }
0x47: {  	_ =	shalt  }
0x48: {  	_ =	shalt  }
0x49: {  	_ =	shalt  }
0x4a: {  	_ =	shalt  }
0x4b: {  	_ =	shalt  }
0x4c: {  	_ =	shalt  }
0x4d: {  	_ =	shalt  }
0x4e: {  	_ =	shalt  }
0x4f: {  	_ =	shalt  }
0x50: {  	_ =	shalt  }
0x51: {  	_ =	shalt  }
0x52: {  	_ =	shalt  }
0x53: {  	_ =	shalt  }
0x54: {  	_ =	shalt  }
0x55: {  	_ =	shalt  }
0x56: {  	_ =	shalt  }
0x57: {  	_ =	shalt  }
0x58: {  	_ =	shalt  }
0x59: {  	_ =	shalt  }
0x5a: {  	_ =	shalt  }
0x5b: {  	_ =	shalt  }
0x5c: {  	_ =	shalt  }
0x5d: {  	_ =	shalt  }
0x5e: {  	_ =	shalt  }
0x5f: {  	_ =	shalt  }
0x60: {  	_ =	shalt  }
0x61: {  	_ =	shalt  }
0x62: {  	_ =	shalt  }
0x63: {  	_ =	shalt  }
0x64: {  	_ =	shalt  }
0x65: {  	_ =	shalt  }
0x66: {  	_ =	shalt  }
0x67: {  	_ =	shalt  }
0x68: {  	_ =	shalt  }
0x69: {  	_ =	shalt  }
0x6a: {  	_ =	shalt  }
0x6b: {  	_ =	shalt  }
0x6c: {  	_ =	shalt  }
0x6d: {  	_ =	shalt  }
0x6e: {  	_ =	shalt  }
0x6f: {  	_ =	shalt  }
0x70: {  	_ =	shalt  }
0x71: {  	_ =	shalt  }
0x72: {  	_ =	shalt  }
0x73: {  	_ =	shalt  }
0x74: {  	_ =	shalt  }
0x75: {  	_ =	shalt  }
0x76: {  	_ =	shalt  }
0x77: {  	_ =	shalt  }
0x78: {  	_ =	shalt  }
0x79: {  	_ =	shalt  }
0x7a: {  	_ =	shalt  }
0x7b: {  	_ =	shalt  }
0x7c: {  	_ =	shalt  }
0x7d: {  	_ =	shalt  }
0x7e: {  	_ =	shalt  }
0x7f: {  	_ =	shalt  }
0x80: {  	_ =	shalt  }
0x81: {  	_ =	shalt  }
0x82: {  	_ =	shalt  }
0x83: {  	_ =	shalt  }
0x84: {  	_ =	shalt  }
0x85: {  	_ =	shalt  }
0x86: {  	_ =	shalt  }
0x87: {  	_ =	shalt  }
.Lfunc_end0:
.L_simem_size_0:
called_computation.1_lowered:
.L_overlay_start_0:
0x88: {  	s2 =	sld [smem:$0x3FD9]  }
0x89: {  	s3 =	sld [smem:$0x3FFE];
	_ =	sdelay $0x1  }
0x8a: {  	s1 =	srdreg.scid  }
0x8b: {  	s0 =	sand.u32 $0x1, s1  }
0x8c: {  	s17 =	sshll.u32 s0, $0xA;
	s2 =	sadd.s32 s3, s2  }
0x8d: {  	s2 =	sadd.s32 s2, s17  }
0x8e: {  	[smem:$0x3FC4] =	sst s2  }
0x8f: {  	_ = 	snop  }
0x90: {  	s18 =	sld [smem:$0x3FC8];
	(tm) =	ssettm $0x1  }
0x91: {  	s19 =	sld [smem:$0x3FFB];
	_ =	sdelay $0x3  }
0x92: {  	_ =	strace s19  }
0x93: {  	s2 =	sld [smem:$0x3FFC];
	_ =	sdelay $0x3  }
0x94: {  	_ =	strace s2  }
0x95: {  	s2 =	sld [smem:$0x3FFD];
	_ =	sdelay $0x3  }
0x96: {  	_ =	strace s2  }
0x97: {  	_ =	strace $0x8FFFFFFF  }
0x98: {  	s20 =	sld [smem:$0x3FDB];
	_ =	sdelay $0x1  }
0x99: {  	s4 =	simm.s32 $_scs_section_size  }
0x9a: {  	s5 =	simm.s32 $_size__tile_overlayer_lowered;
	s6 =	simm.s32 $_tile_overlayer_lowered  }
0x9b: {  	s7 =	simm.s32 $0x1BFF;
	s21 =	sshll.u32 s6, $0x1;
	s4 =	sadd.s32 s4, s20  }
0x9c: {  	s22 =	simm.s32 $0x0;
	s5 =	sshll.u32 s5, $0x1;
	s6 =	sadd.s32 s21, s4  }
0x9d: {  	[timem:s22], [sflag:s7] =	dma.local [hbm:s6], s5  }
0x9e: {  	_ =	swait.ge [sflag:s7], s5  }
0x9f: {  	s5 =	ssub.s32 $0x0, s5;
	[sflag:s7] =	ssyncset.done $0x0  }
0xa0: {  	[sflag:s7] =	ssyncadd.s32 s5;
	_ =	sdelay $0x1  }
0xa1: {  	s23 =	simm.s32 $0x1B8B  }
0xa2: {  	_ =	swait.ge [sflag:s23], $0x1  }
0xa3: {  	[sflag:s23] =	ssyncset.done $0x0  }
0xa4: {  	[sflag:s23] =	ssyncadd.s32 $0xFFFFFFFF  }
0xa5: {  	s5 =	sld [smem:$0x0]  }
0xa6: {  	s6 =	sand.u32 $0xFFFFFFFE, s1  }
0xa7: {  	p0 =	sne.s32 s1, s6  }
0xa8: {  	s6 =	sshll.u32 @p0 s6, $0xE  }
0xa9: {  	s6 =	sadd.s32 @p0 $0x11B8D, s6;
	s7 =	sshll.u32 @p0 s5, $0x11  }
0xaa: {  	s6 =	sor.u32 @p0 s7, s6  }
0xab: {  	[sflag:s6] =	ssyncadd.remote.s32 @p0 $0x1;
	_ =	sdelay $0x1  }
0xac: {  	s6 =	simm.s32 @p0 $0x1B8D  }
0xad: {  	_ =	swait.eq @p0 [sflag:s6], $0x1  }
0xae: {  	[sflag:s6] =	ssyncadd.s32 @p0 $0xFFFFFFFF  }
0xaf: {  	s7 =	sshll.u32 @!p0 s1, $0xE  }
0xb0: {  	s7 =	sor.u32 @!p0 $0x4000, s7;
	s6 =	simm.s32 @!p0 $0x1B8D  }
0xb1: {  	s5 =	sshll.u32 @!p0 s5, $0x11;
	s7 =	sadd.s32 @!p0 $0x11B8D, s7;
	_ =	swait.eq @!p0 [sflag:s6], $0x1  }
0xb2: {  	s5 =	sor.u32 @!p0 s5, s7;
	[sflag:s6] =	ssyncadd.s32 @!p0 $0xFFFFFFFF  }
0xb3: {  	s25 =	simm.s32 $0x1B8E;
	s24 =	sld [smem:$0x3FFE];
	[sflag:s5] =	ssyncadd.remote.s32 @!p0 $0x1  }
0xb4: {  	s26 =	simm.s32 $execute0_lowered;
	[smem:$0x3FD2] =	sst s25  }
0xb5: {  	s6 =	sshll.u32 s26, $0x1;
	_ =	strace $0x80000049;
	[dreg:$0x1] =	wrdreg $0xFFFFFFFF  }
0xb6: {  	s28 =	simm.s32 $_size_execute0_lowered;
	s4 =	sadd.s32 s4, s6;
	[dreg:$0x0] =	wrdreg $0x0  }
0xb7: {  	s6 =	sshll.u32 s28, $0x1;
	[dreg:$0x2] =	wrdreg s4  }
0xb8: {  	[dreg:$0x3] =	wrdreg s6  }
0xb9: {  	[dreg:$0x4] =	wrdreg $0xC0  }
0xba: {  	_ =	task [dreg:s22], $0x5FFFF  }
0xbb: {  	[dreg:$0x1] =	wrdreg $0xFFFFFFFF  }
0xbc: {  	[dreg:$0x0] =	wrdreg $0x60  }
0xbd: {  	[dreg:$0x2] =	wrdreg s18  }
0xbe: {  	[dreg:$0x3] =	wrdreg s24  }
0xbf: {  	[dreg:$0x4] =	wrdreg $0xA  }
0xc0: {  	_ =	task.clear_ibuf [dreg:s22], $0x5FFFF;
	_ =	strace $0x90000049  }
0xc1: {  	s29 =	simm.s32 $0xA;
	_ =	strace $0x8000004B  }
0xc2: {  	_ =	swait.ge [sflag:s29], $0x1  }
0xc3: {  	[sflag:s29] =	ssyncadd.s32 $0xFFFFFFFF  }
0xc4: {  	_ =	strace $0x9000004B  }
0xc5: {  	_ =	sfence  }
0xc6: {  	s30 =	sld [smem:$0x0];
	_ =	sdelay $0x2  }
0xc7: {  	s31 =	sshll.u32 s1, $0xD;
	s1 =	sshrl.u32 s1, $0x2  }
0xc8: {  	s4 =	sand.u32 $0x4000, s31;
	s1 =	sadd.s32 s1, s30  }
0xc9: {  	s0 =	sor.u32 s4, s0;
	s1 =	sshll.u32 s1, $0x11  }
0xca: {  	s0 =	sor.u32 s1, s0  }
0xcb: {  	s0 =	sadd.s32 $0x8F2B, s0  }
0xcc: {  	[sflag:s0] =	ssyncadd.remote.s32 $0x1  }
0xcd: {  	_ =	sfence.sel $0xFFFF  }
0xce: {  	[dreg:$0x0] =	wrdreg $0xFFFFFFFF;
	(pc) =	sbr.abs _section_cstart, $3  }
0xcf: {  	[dreg:$0x1] =	wrdreg $0xFFFFFFFF  }
0xd0: {  	_ =	task.clear_ibuf [dreg:s22], $0x2FFFF;
	_ =	strace $0x9FFFFFFF  }
0xd1: {  	(tm) =	ssettm $0x7FFFFFFF  }
tec
execute0_lowered:
.L_overlay_start_1:
0x0: {  	(tag) =	ssettag $0x1  }
0x1: {  	s0 =	srdreg.scid;
	s2 =	rddreg [dreg:$0x0]  }
0x2: {  	s1 =	stileid.u32;
	s4 =	rddreg [dreg:$0x1];
	s3 =	simm.s32 $0x0  }
0x3: {  	s31 =	simm.s32 $0x5;
	s9 =	simm.s32 $0x50;
	s10 =	simm.s32 $0x400  }
0x4: {  	s13 =	simm.s32 $0x1;
	s8 =	simm.s32 $0x2C00;
	s11 =	simm.s32 $0x2  }
0x5: {  	s7 =	simm.s32 $0x3;
	s30 =	simm.s32 $0xA0;
	s6 =	simm.s32 $0x4  }
0x6: {  	s29 =	simm.s32 $0xF0;
	s28 =	simm.s32 $0x140;
	p0 =	por $0x0, $0x0  }
0x7: {  	s20 =	simm.s32 $0x2D0;
	s0 =	sand.u32 $0x1, s0;
	s1 =	sshll.u32 s1, $0x1  }
0x8: {  	s18 =	simm.s32 $0x320;
	s16 =	simm.s32 $0x370;
	s1 =	sor.u32 s0, s1  }
0x9: {  	[smem:$0x7FF] =	sst s3;
	s0 =	ssub.s32 $0x2, s0;
	s5 =	smul.u32 $0x3C0, s1  }
0xa: {  	_ =	strace $0x8000004A;
	s1 =	smul.u32 $0x3C00, s1;
	s24 =	sshrl.u32 s0, $0x1  }
0xb: {  	s0 =	ssub.s32 s0, s24;
	s24 =	simm.s32 $0x230;
	s5 =	sshrl.u32 s5, $0x3  }
0xc: {  	s1 =	sadd.s32 s1, s4;
	s0 =	smax.u32 s0, $0x1;
	s5 =	sadd.s32 s4, s5  }
0xd: {  	s23 =	sadd.s32 $0x2600, s1;
	s25 =	sadd.s32 $0x2B00, s1;
	s26 =	sadd.s32 $0x3000, s1  }
0xe: {  	s21 =	sadd.s32 $0x3A00, s1;
	s19 =	sadd.s32 $0x3F00, s1;
	s17 =	sadd.s32 $0x4400, s1  }
0xf: {  	s15 =	sadd.s32 $0x4900, s1;
	s14 =	sadd.s32 $0x4E00, s1;
	p1 =	sne.s32 s0, $0x1  }
.Ltmp0:
0x10: {  	s12 =	sadd.s32 $0x5300, s1;
	[dreg:$0x4] =	wrdreg s23;
	(pc) =	sbr.rel @!p1 .LBB2_3-.Ltmp0, $4  }
0x11: {  	s4 =	sadd.s32 $0x5D00, s1;
	s22 =	sadd.s32 $0x1600, s5;
	[dreg:$0x5] =	wrdreg s25  }
0x12: {  	[dreg:$0x6] =	wrdreg s26;
	s23 =	sadd.s32 $0x3500, s1;
	s5 =	sadd.s32 $0x5800, s1  }
0x13: {  	s26 =	simm.s32 $0x190;
	s1 =	sadd.s32 $0xFFFFFFFF, s0;
	[dreg:$0x3] =	wrdreg s22  }
0x14: {  	s25 =	simm.s32 $0x1E0;
	s22 =	simm.s32 $0x280;
	s0 =	rddreg [dreg:$0x3]  }
0x15: {  	[tilespmem:s3], [sflag:$0x5] =	stream.linear.gather [hbm4b:s0+s3], $0x3C0, $0x38;
	[tilespmem:$0x5400] =	vst v63  }
0x16: {  	_ =	swait.ge [sflag:s31], $0x3C0  }
0x17: {  	[sflag:s31] =	ssyncset.done $0x0  }
0x18: {  	[sflag:s31] =	ssyncadd.s32 $0xFFFFFC40  }
0x19: {  	[tilespmem:s10], [sflag:$0x1] =	stream.indirect.gather [hbm4b:s2+s9], $0x80, s3, s9, $0xb8;
	[tilespmem:$0x5400] =	vst v63  }
0x1a: {  	_ =	swait.ge [sflag:s13], $0x2800  }
0x1b: {  	[sflag:s13] =	ssyncset.done $0x0  }
0x1c: {  	[sflag:s13] =	ssyncadd.s32 $0xFFFFD800  }
0x1d: {  	[tilespmem:s8], [sflag:$0x2] =	stream.indirect.gather [hbm4b:s2+s9], $0x80, s9, s9, $0xb8;
	[tilespmem:$0x5400] =	vst v63  }
0x1e: {  	s0 =	rddreg [dreg:$0x4]  }
0x1f: {  	[hbm4b:s0+s3] =	stream.linear.scatter [tilespmem:s10], [sflag:$0x3], $0x2800, $0x38;
	[tilespmem:$0x5400] =	vst v63  }
0x20: {  	_ =	swait.ge [sflag:s11], $0x2800  }
0x21: {  	[sflag:s11] =	ssyncset.done $0x0  }
0x22: {  	[sflag:s11] =	ssyncadd.s32 $0xFFFFD800  }
0x23: {  	_ =	swait.ge [sflag:s7], $0x2800  }
0x24: {  	[sflag:s7] =	ssyncset.done $0x0  }
0x25: {  	[sflag:s7] =	ssyncadd.s32 $0xFFFFD800  }
0x26: {  	[tilespmem:s10], [sflag:$0x1] =	stream.indirect.gather [hbm4b:s2+s9], $0x80, s30, s9, $0xb8;
	[tilespmem:$0x5400] =	vst v63  }
0x27: {  	s0 =	rddreg [dreg:$0x5]  }
0x28: {  	[hbm4b:s0+s3] =	stream.linear.scatter [tilespmem:s8], [sflag:$0x4], $0x2800, $0x38;
	[tilespmem:$0x5400] =	vst v63  }
0x29: {  	_ =	swait.ge [sflag:s13], $0x2800  }
0x2a: {  	[sflag:s13] =	ssyncset.done $0x0  }
0x2b: {  	[sflag:s13] =	ssyncadd.s32 $0xFFFFD800  }
0x2c: {  	_ =	swait.ge [sflag:s6], $0x2800  }
0x2d: {  	[sflag:s6] =	ssyncset.done $0x0  }
0x2e: {  	[sflag:s6] =	ssyncadd.s32 $0xFFFFD800  }
0x2f: {  	[tilespmem:s8], [sflag:$0x2] =	stream.indirect.gather [hbm4b:s2+s9], $0x80, s29, s9, $0xb8;
	[tilespmem:$0x5400] =	vst v63  }
0x30: {  	s0 =	rddreg [dreg:$0x6]  }
0x31: {  	[hbm4b:s0+s3] =	stream.linear.scatter [tilespmem:s10], [sflag:$0x3], $0x2800, $0x38;
	[tilespmem:$0x5400] =	vst v63  }
0x32: {  	_ =	swait.ge [sflag:s11], $0x2800  }
0x33: {  	[sflag:s11] =	ssyncset.done $0x0  }
0x34: {  	[sflag:s11] =	ssyncadd.s32 $0xFFFFD800  }
0x35: {  	_ =	swait.ge [sflag:s7], $0x2800  }
0x36: {  	[sflag:s7] =	ssyncset.done $0x0  }
0x37: {  	[sflag:s7] =	ssyncadd.s32 $0xFFFFD800  }
0x38: {  	[tilespmem:s10], [sflag:$0x1] =	stream.indirect.gather [hbm4b:s2+s9], $0x80, s28, s9, $0xb8;
	[tilespmem:$0x5400] =	vst v63  }
0x39: {  	_ = 	snop  }
0x3a: {  	[hbm4b:s23+s3] =	stream.linear.scatter [tilespmem:s8], [sflag:$0x4], $0x2800, $0x38;
	[tilespmem:$0x5400] =	vst v63  }
0x3b: {  	_ =	swait.ge [sflag:s13], $0x2800  }
0x3c: {  	[sflag:s13] =	ssyncset.done $0x0  }
0x3d: {  	[sflag:s13] =	ssyncadd.s32 $0xFFFFD800  }
0x3e: {  	_ =	swait.ge [sflag:s6], $0x2800  }
0x3f: {  	[sflag:s6] =	ssyncset.done $0x0  }
0x40: {  	[sflag:s6] =	ssyncadd.s32 $0xFFFFD800  }
0x41: {  	[tilespmem:s8], [sflag:$0x2] =	stream.indirect.gather [hbm4b:s2+s9], $0x80, s26, s9, $0xb8;
	[tilespmem:$0x5400] =	vst v63  }
0x42: {  	_ = 	snop  }
0x43: {  	[hbm4b:s21+s3] =	stream.linear.scatter [tilespmem:s10], [sflag:$0x3], $0x2800, $0x38;
	[tilespmem:$0x5400] =	vst v63  }
0x44: {  	_ =	swait.ge [sflag:s11], $0x2800  }
0x45: {  	[sflag:s11] =	ssyncset.done $0x0  }
0x46: {  	[sflag:s11] =	ssyncadd.s32 $0xFFFFD800  }
0x47: {  	_ =	swait.ge [sflag:s7], $0x2800  }
0x48: {  	[sflag:s7] =	ssyncset.done $0x0  }
0x49: {  	[sflag:s7] =	ssyncadd.s32 $0xFFFFD800  }
0x4a: {  	[tilespmem:s10], [sflag:$0x1] =	stream.indirect.gather [hbm4b:s2+s9], $0x80, s25, s9, $0xb8;
	[tilespmem:$0x5400] =	vst v63  }
0x4b: {  	_ = 	snop  }
0x4c: {  	[hbm4b:s19+s3] =	stream.linear.scatter [tilespmem:s8], [sflag:$0x4], $0x2800, $0x38;
	[tilespmem:$0x5400] =	vst v63  }
0x4d: {  	_ =	swait.ge [sflag:s13], $0x2800  }
0x4e: {  	[sflag:s13] =	ssyncset.done $0x0  }
0x4f: {  	[sflag:s13] =	ssyncadd.s32 $0xFFFFD800  }
0x50: {  	_ =	swait.ge [sflag:s6], $0x2800  }
0x51: {  	[sflag:s6] =	ssyncset.done $0x0  }
0x52: {  	[sflag:s6] =	ssyncadd.s32 $0xFFFFD800  }
0x53: {  	[tilespmem:s8], [sflag:$0x2] =	stream.indirect.gather [hbm4b:s2+s9], $0x80, s24, s9, $0xb8;
	[tilespmem:$0x5400] =	vst v63  }
0x54: {  	_ = 	snop  }
0x55: {  	[hbm4b:s17+s3] =	stream.linear.scatter [tilespmem:s10], [sflag:$0x3], $0x2800, $0x38;
	[tilespmem:$0x5400] =	vst v63  }
0x56: {  	_ =	swait.ge [sflag:s11], $0x2800  }
0x57: {  	[sflag:s11] =	ssyncset.done $0x0  }
0x58: {  	[sflag:s11] =	ssyncadd.s32 $0xFFFFD800  }
0x59: {  	_ =	swait.ge [sflag:s7], $0x2800  }
0x5a: {  	[sflag:s7] =	ssyncset.done $0x0  }
0x5b: {  	[sflag:s7] =	ssyncadd.s32 $0xFFFFD800  }
0x5c: {  	[tilespmem:s10], [sflag:$0x1] =	stream.indirect.gather [hbm4b:s2+s9], $0x80, s22, s9, $0xb8;
	[tilespmem:$0x5400] =	vst v63  }
0x5d: {  	_ = 	snop  }
0x5e: {  	[hbm4b:s15+s3] =	stream.linear.scatter [tilespmem:s8], [sflag:$0x4], $0x2800, $0x38;
	[tilespmem:$0x5400] =	vst v63  }
0x5f: {  	_ =	swait.ge [sflag:s13], $0x2800  }
0x60: {  	[sflag:s13] =	ssyncset.done $0x0  }
0x61: {  	[sflag:s13] =	ssyncadd.s32 $0xFFFFD800  }
0x62: {  	_ =	swait.ge [sflag:s6], $0x2800  }
0x63: {  	[sflag:s6] =	ssyncset.done $0x0  }
0x64: {  	[sflag:s6] =	ssyncadd.s32 $0xFFFFD800  }
0x65: {  	[tilespmem:s8], [sflag:$0x2] =	stream.indirect.gather [hbm4b:s2+s9], $0x80, s20, s9, $0xb8;
	[tilespmem:$0x5400] =	vst v63  }
0x66: {  	_ = 	snop  }
0x67: {  	[hbm4b:s14+s3] =	stream.linear.scatter [tilespmem:s10], [sflag:$0x3], $0x2800, $0x38;
	[tilespmem:$0x5400] =	vst v63  }
0x68: {  	_ =	swait.ge [sflag:s11], $0x2800  }
0x69: {  	[sflag:s11] =	ssyncset.done $0x0  }
0x6a: {  	[sflag:s11] =	ssyncadd.s32 $0xFFFFD800  }
0x6b: {  	_ =	swait.ge [sflag:s7], $0x2800  }
0x6c: {  	[sflag:s7] =	ssyncset.done $0x0  }
0x6d: {  	[sflag:s7] =	ssyncadd.s32 $0xFFFFD800  }
0x6e: {  	[tilespmem:s10], [sflag:$0x1] =	stream.indirect.gather [hbm4b:s2+s9], $0x80, s18, s9, $0xb8;
	[tilespmem:$0x5400] =	vst v63  }
0x6f: {  	_ = 	snop  }
0x70: {  	[hbm4b:s12+s3] =	stream.linear.scatter [tilespmem:s8], [sflag:$0x4], $0x2800, $0x38;
	[tilespmem:$0x5400] =	vst v63  }
0x71: {  	_ =	swait.ge [sflag:s13], $0x2800  }
0x72: {  	[sflag:s13] =	ssyncset.done $0x0  }
0x73: {  	[sflag:s13] =	ssyncadd.s32 $0xFFFFD800  }
0x74: {  	_ =	swait.ge [sflag:s6], $0x2800  }
0x75: {  	[sflag:s6] =	ssyncset.done $0x0  }
0x76: {  	[sflag:s6] =	ssyncadd.s32 $0xFFFFD800  }
0x77: {  	[tilespmem:s8], [sflag:$0x2] =	stream.indirect.gather [hbm4b:s2+s9], $0x80, s16, s9, $0xb8;
	[tilespmem:$0x5400] =	vst v63  }
0x78: {  	_ = 	snop  }
0x79: {  	[hbm4b:s5+s3] =	stream.linear.scatter [tilespmem:s10], [sflag:$0x3], $0x2800, $0x38;
	[tilespmem:$0x5400] =	vst v63  }
0x7a: {  	_ =	swait.ge [sflag:s11], $0x2800  }
0x7b: {  	[sflag:s11] =	ssyncset.done $0x0  }
0x7c: {  	p1 =	sne.s32 s1, $0x1;
	[sflag:s11] =	ssyncadd.s32 $0xFFFFD800  }
0x7d: {  	[hbm4b:s4+s3] =	stream.linear.scatter [tilespmem:s8], [sflag:$0x4], $0x2800, $0x38;
	[tilespmem:$0x5400] =	vst v63  }
.Ltmp1:
0x7e: {  	_ =	swait.ge [sflag:s7], $0x2800;
	(pc) =	sbr.rel @!p1 .LBB2_3-.Ltmp1, $4  }
0x7f: {  	[sflag:s7] =	ssyncset.done $0x0  }
0x80: {  	[sflag:s7] =	ssyncadd.s32 $0xFFFFD800  }
0x81: {  	s1 =	sadd.s32 $0xFFFFFFFF, s1;
	_ =	swait.ge [sflag:s6], $0x2800  }
0x82: {  	p0 =	por $0x1, $0x1;
	s0 =	rddreg [dreg:$0x3];
	[sflag:s6] =	ssyncset.done $0x0  }
.LBB2_2:
0x83: {  	[sflag:s6] =	ssyncadd.s32 $0xFFFFD800  }
0x84: {  	[tilespmem:s3], [sflag:$0x5] =	stream.linear.gather [hbm4b:s0+s3], $0x3C0, $0x38;
	[tilespmem:$0x5400] =	vst v63  }
0x85: {  	_ =	swait.ge [sflag:s31], $0x3C0  }
0x86: {  	[sflag:s31] =	ssyncset.done $0x0  }
0x87: {  	[sflag:s31] =	ssyncadd.s32 $0xFFFFFC40  }
0x88: {  	[tilespmem:s10], [sflag:$0x1] =	stream.indirect.gather [hbm4b:s2+s9], $0x80, s3, s9, $0xb8;
	[tilespmem:$0x5400] =	vst v63  }
0x89: {  	_ =	swait.ge [sflag:s13], $0x2800  }
0x8a: {  	[sflag:s13] =	ssyncset.done $0x0  }
0x8b: {  	[sflag:s13] =	ssyncadd.s32 $0xFFFFD800  }
0x8c: {  	[tilespmem:s8], [sflag:$0x2] =	stream.indirect.gather [hbm4b:s2+s9], $0x80, s9, s9, $0xb8;
	[tilespmem:$0x5400] =	vst v63  }
0x8d: {  	s0 =	rddreg [dreg:$0x4]  }
0x8e: {  	[hbm4b:s0+s3] =	stream.linear.scatter [tilespmem:s10], [sflag:$0x3], $0x2800, $0x38;
	[tilespmem:$0x5400] =	vst v63  }
0x8f: {  	_ =	swait.ge [sflag:s11], $0x2800  }
0x90: {  	[sflag:s11] =	ssyncset.done $0x0  }
0x91: {  	[sflag:s11] =	ssyncadd.s32 $0xFFFFD800  }
0x92: {  	_ =	swait.ge [sflag:s7], $0x2800  }
0x93: {  	[sflag:s7] =	ssyncset.done $0x0  }
0x94: {  	[sflag:s7] =	ssyncadd.s32 $0xFFFFD800  }
0x95: {  	[tilespmem:s10], [sflag:$0x1] =	stream.indirect.gather [hbm4b:s2+s9], $0x80, s30, s9, $0xb8;
	[tilespmem:$0x5400] =	vst v63  }
0x96: {  	s0 =	rddreg [dreg:$0x5]  }
0x97: {  	[hbm4b:s0+s3] =	stream.linear.scatter [tilespmem:s8], [sflag:$0x4], $0x2800, $0x38;
	[tilespmem:$0x5400] =	vst v63  }
0x98: {  	_ =	swait.ge [sflag:s13], $0x2800  }
0x99: {  	[sflag:s13] =	ssyncset.done $0x0  }
0x9a: {  	[sflag:s13] =	ssyncadd.s32 $0xFFFFD800  }
0x9b: {  	_ =	swait.ge [sflag:s6], $0x2800  }
0x9c: {  	[sflag:s6] =	ssyncset.done $0x0  }
0x9d: {  	[sflag:s6] =	ssyncadd.s32 $0xFFFFD800  }
0x9e: {  	[tilespmem:s8], [sflag:$0x2] =	stream.indirect.gather [hbm4b:s2+s9], $0x80, s29, s9, $0xb8;
	[tilespmem:$0x5400] =	vst v63  }
0x9f: {  	s0 =	rddreg [dreg:$0x6]  }
0xa0: {  	[hbm4b:s0+s3] =	stream.linear.scatter [tilespmem:s10], [sflag:$0x3], $0x2800, $0x38;
	[tilespmem:$0x5400] =	vst v63  }
0xa1: {  	_ =	swait.ge [sflag:s11], $0x2800  }
0xa2: {  	[sflag:s11] =	ssyncset.done $0x0  }
0xa3: {  	[sflag:s11] =	ssyncadd.s32 $0xFFFFD800  }
0xa4: {  	_ =	swait.ge [sflag:s7], $0x2800  }
0xa5: {  	[sflag:s7] =	ssyncset.done $0x0  }
0xa6: {  	[sflag:s7] =	ssyncadd.s32 $0xFFFFD800  }
0xa7: {  	[tilespmem:s10], [sflag:$0x1] =	stream.indirect.gather [hbm4b:s2+s9], $0x80, s28, s9, $0xb8;
	[tilespmem:$0x5400] =	vst v63  }
0xa8: {  	_ = 	snop  }
0xa9: {  	[hbm4b:s23+s3] =	stream.linear.scatter [tilespmem:s8], [sflag:$0x4], $0x2800, $0x38;
	[tilespmem:$0x5400] =	vst v63  }
0xaa: {  	_ =	swait.ge [sflag:s13], $0x2800  }
0xab: {  	[sflag:s13] =	ssyncset.done $0x0  }
0xac: {  	[sflag:s13] =	ssyncadd.s32 $0xFFFFD800  }
0xad: {  	_ =	swait.ge [sflag:s6], $0x2800  }
0xae: {  	[sflag:s6] =	ssyncset.done $0x0  }
0xaf: {  	[sflag:s6] =	ssyncadd.s32 $0xFFFFD800  }
0xb0: {  	[tilespmem:s8], [sflag:$0x2] =	stream.indirect.gather [hbm4b:s2+s9], $0x80, s26, s9, $0xb8;
	[tilespmem:$0x5400] =	vst v63  }
0xb1: {  	_ = 	snop  }
0xb2: {  	[hbm4b:s21+s3] =	stream.linear.scatter [tilespmem:s10], [sflag:$0x3], $0x2800, $0x38;
	[tilespmem:$0x5400] =	vst v63  }
0xb3: {  	_ =	swait.ge [sflag:s11], $0x2800  }
0xb4: {  	[sflag:s11] =	ssyncset.done $0x0  }
0xb5: {  	[sflag:s11] =	ssyncadd.s32 $0xFFFFD800  }
0xb6: {  	_ =	swait.ge [sflag:s7], $0x2800  }
0xb7: {  	[sflag:s7] =	ssyncset.done $0x0  }
0xb8: {  	[sflag:s7] =	ssyncadd.s32 $0xFFFFD800  }
0xb9: {  	[tilespmem:s10], [sflag:$0x1] =	stream.indirect.gather [hbm4b:s2+s9], $0x80, s25, s9, $0xb8;
	[tilespmem:$0x5400] =	vst v63  }
0xba: {  	_ = 	snop  }
0xbb: {  	[hbm4b:s19+s3] =	stream.linear.scatter [tilespmem:s8], [sflag:$0x4], $0x2800, $0x38;
	[tilespmem:$0x5400] =	vst v63  }
0xbc: {  	_ =	swait.ge [sflag:s13], $0x2800  }
0xbd: {  	[sflag:s13] =	ssyncset.done $0x0  }
0xbe: {  	[sflag:s13] =	ssyncadd.s32 $0xFFFFD800  }
0xbf: {  	_ =	swait.ge [sflag:s6], $0x2800  }
0xc0: {  	[sflag:s6] =	ssyncset.done $0x0  }
0xc1: {  	[sflag:s6] =	ssyncadd.s32 $0xFFFFD800  }
0xc2: {  	[tilespmem:s8], [sflag:$0x2] =	stream.indirect.gather [hbm4b:s2+s9], $0x80, s24, s9, $0xb8;
	[tilespmem:$0x5400] =	vst v63  }
0xc3: {  	_ = 	snop  }
0xc4: {  	[hbm4b:s17+s3] =	stream.linear.scatter [tilespmem:s10], [sflag:$0x3], $0x2800, $0x38;
	[tilespmem:$0x5400] =	vst v63  }
0xc5: {  	_ =	swait.ge [sflag:s11], $0x2800  }
0xc6: {  	[sflag:s11] =	ssyncset.done $0x0  }
0xc7: {  	[sflag:s11] =	ssyncadd.s32 $0xFFFFD800  }
0xc8: {  	_ =	swait.ge [sflag:s7], $0x2800  }
0xc9: {  	[sflag:s7] =	ssyncset.done $0x0  }
0xca: {  	[sflag:s7] =	ssyncadd.s32 $0xFFFFD800  }
0xcb: {  	[tilespmem:s10], [sflag:$0x1] =	stream.indirect.gather [hbm4b:s2+s9], $0x80, s22, s9, $0xb8;
	[tilespmem:$0x5400] =	vst v63  }
0xcc: {  	_ = 	snop  }
0xcd: {  	[hbm4b:s15+s3] =	stream.linear.scatter [tilespmem:s8], [sflag:$0x4], $0x2800, $0x38;
	[tilespmem:$0x5400] =	vst v63  }
0xce: {  	_ =	swait.ge [sflag:s13], $0x2800  }
0xcf: {  	[sflag:s13] =	ssyncset.done $0x0  }
0xd0: {  	[sflag:s13] =	ssyncadd.s32 $0xFFFFD800  }
0xd1: {  	_ =	swait.ge [sflag:s6], $0x2800  }
0xd2: {  	[sflag:s6] =	ssyncset.done $0x0  }
0xd3: {  	[sflag:s6] =	ssyncadd.s32 $0xFFFFD800  }
0xd4: {  	[tilespmem:s8], [sflag:$0x2] =	stream.indirect.gather [hbm4b:s2+s9], $0x80, s20, s9, $0xb8;
	[tilespmem:$0x5400] =	vst v63  }
0xd5: {  	_ = 	snop  }
0xd6: {  	[hbm4b:s14+s3] =	stream.linear.scatter [tilespmem:s10], [sflag:$0x3], $0x2800, $0x38;
	[tilespmem:$0x5400] =	vst v63  }
0xd7: {  	_ =	swait.ge [sflag:s11], $0x2800  }
0xd8: {  	[sflag:s11] =	ssyncset.done $0x0  }
0xd9: {  	[sflag:s11] =	ssyncadd.s32 $0xFFFFD800  }
0xda: {  	_ =	swait.ge [sflag:s7], $0x2800  }
0xdb: {  	[sflag:s7] =	ssyncset.done $0x0  }
0xdc: {  	[sflag:s7] =	ssyncadd.s32 $0xFFFFD800  }
0xdd: {  	[tilespmem:s10], [sflag:$0x1] =	stream.indirect.gather [hbm4b:s2+s9], $0x80, s18, s9, $0xb8;
	[tilespmem:$0x5400] =	vst v63  }
0xde: {  	_ = 	snop  }
0xdf: {  	[hbm4b:s12+s3] =	stream.linear.scatter [tilespmem:s8], [sflag:$0x4], $0x2800, $0x38;
	[tilespmem:$0x5400] =	vst v63  }
0xe0: {  	_ =	swait.ge [sflag:s13], $0x2800  }
0xe1: {  	[sflag:s13] =	ssyncset.done $0x0  }
0xe2: {  	[sflag:s13] =	ssyncadd.s32 $0xFFFFD800  }
0xe3: {  	_ =	swait.ge [sflag:s6], $0x2800  }
0xe4: {  	[sflag:s6] =	ssyncset.done $0x0  }
0xe5: {  	[sflag:s6] =	ssyncadd.s32 $0xFFFFD800  }
0xe6: {  	[tilespmem:s8], [sflag:$0x2] =	stream.indirect.gather [hbm4b:s2+s9], $0x80, s16, s9, $0xb8;
	[tilespmem:$0x5400] =	vst v63  }
0xe7: {  	_ = 	snop  }
0xe8: {  	[hbm4b:s5+s3] =	stream.linear.scatter [tilespmem:s10], [sflag:$0x3], $0x2800, $0x38;
	[tilespmem:$0x5400] =	vst v63  }
0xe9: {  	_ =	swait.ge [sflag:s11], $0x2800  }
0xea: {  	[sflag:s11] =	ssyncset.done $0x0  }
0xeb: {  	p1 =	sne.s32 s1, $0x1;
	[sflag:s11] =	ssyncadd.s32 $0xFFFFD800  }
0xec: {  	[hbm4b:s4+s3] =	stream.linear.scatter [tilespmem:s8], [sflag:$0x4], $0x2800, $0x38;
	[tilespmem:$0x5400] =	vst v63  }
.Ltmp2:
0xed: {  	_ =	swait.ge [sflag:s7], $0x2800;
	(pc) =	sbr.rel @p1 .LBB2_2-.Ltmp2, $4  }
0xee: {  	[sflag:s7] =	ssyncset.done $0x0  }
0xef: {  	[sflag:s7] =	ssyncadd.s32 $0xFFFFD800  }
0xf0: {  	_ =	swait.ge [sflag:s6], $0x2800  }
0xf1: {  	s1 =	sadd.s32 $0xFFFFFFFF, s1;
	s0 =	rddreg [dreg:$0x3];
	[sflag:s6] =	ssyncset.done $0x0  }
.LBB2_3:
0xf2: {  	[sflag:s6] =	ssyncadd.s32 @p0 $0xFFFFD800  }
0xf3: {  	[tilespmem:s3], [sflag:$0x5] =	stream.linear.gather [hbm4b:s0+s3], $0x3C0, $0x38;
	[tilespmem:$0x5400] =	vst v63  }
0xf4: {  	_ =	swait.ge [sflag:s31], $0x3C0  }
0xf5: {  	[sflag:s31] =	ssyncset.done $0x0  }
0xf6: {  	[sflag:s31] =	ssyncadd.s32 $0xFFFFFC40  }
0xf7: {  	[tilespmem:s10], [sflag:$0x1] =	stream.indirect.gather [hbm4b:s2+s9], $0x80, s3, s9, $0xb8;
	[tilespmem:$0x5400] =	vst v63  }
0xf8: {  	_ =	swait.ge [sflag:s13], $0x2800  }
0xf9: {  	[sflag:s13] =	ssyncset.done $0x0  }
0xfa: {  	[sflag:s13] =	ssyncadd.s32 $0xFFFFD800  }
0xfb: {  	[tilespmem:s8], [sflag:$0x2] =	stream.indirect.gather [hbm4b:s2+s9], $0x80, s9, s9, $0xb8;
	[tilespmem:$0x5400] =	vst v63  }
0xfc: {  	s31 =	rddreg [dreg:$0x4]  }
0xfd: {  	[hbm4b:s31+s3] =	stream.linear.scatter [tilespmem:s10], [sflag:$0x3], $0x2800, $0x38;
	[tilespmem:$0x5400] =	vst v63  }
0xfe: {  	_ =	swait.ge [sflag:s11], $0x2800  }
0xff: {  	[sflag:s11] =	ssyncset.done $0x0  }
0x100: {  	[sflag:s11] =	ssyncadd.s32 $0xFFFFD800  }
0x101: {  	_ =	swait.ge [sflag:s7], $0x2800  }
0x102: {  	[sflag:s7] =	ssyncset.done $0x0  }
0x103: {  	[sflag:s7] =	ssyncadd.s32 $0xFFFFD800  }
0x104: {  	[tilespmem:s10], [sflag:$0x1] =	stream.indirect.gather [hbm4b:s2+s9], $0x80, s30, s9, $0xb8;
	[tilespmem:$0x5400] =	vst v63  }
0x105: {  	s1 =	rddreg [dreg:$0x5]  }
0x106: {  	[hbm4b:s1+s3] =	stream.linear.scatter [tilespmem:s8], [sflag:$0x4], $0x2800, $0x38;
	[tilespmem:$0x5400] =	vst v63  }
0x107: {  	_ =	swait.ge [sflag:s13], $0x2800  }
0x108: {  	[sflag:s13] =	ssyncset.done $0x0  }
0x109: {  	[sflag:s13] =	ssyncadd.s32 $0xFFFFD800  }
0x10a: {  	_ =	swait.ge [sflag:s6], $0x2800  }
0x10b: {  	[sflag:s6] =	ssyncset.done $0x0  }
0x10c: {  	[sflag:s6] =	ssyncadd.s32 $0xFFFFD800  }
0x10d: {  	[tilespmem:s8], [sflag:$0x2] =	stream.indirect.gather [hbm4b:s2+s9], $0x80, s29, s9, $0xb8;
	[tilespmem:$0x5400] =	vst v63  }
0x10e: {  	s30 =	rddreg [dreg:$0x6]  }
0x10f: {  	[hbm4b:s30+s3] =	stream.linear.scatter [tilespmem:s10], [sflag:$0x3], $0x2800, $0x38;
	[tilespmem:$0x5400] =	vst v63  }
0x110: {  	_ =	swait.ge [sflag:s11], $0x2800  }
0x111: {  	[sflag:s11] =	ssyncset.done $0x0  }
0x112: {  	[sflag:s11] =	ssyncadd.s32 $0xFFFFD800  }
0x113: {  	_ =	swait.ge [sflag:s7], $0x2800  }
0x114: {  	[sflag:s7] =	ssyncset.done $0x0  }
0x115: {  	[sflag:s7] =	ssyncadd.s32 $0xFFFFD800  }
0x116: {  	[tilespmem:s10], [sflag:$0x1] =	stream.indirect.gather [hbm4b:s2+s9], $0x80, s28, s9, $0xb8;
	[tilespmem:$0x5400] =	vst v63  }
0x117: {  	_ = 	snop  }
0x118: {  	[hbm4b:s23+s3] =	stream.linear.scatter [tilespmem:s8], [sflag:$0x4], $0x2800, $0x38;
	[tilespmem:$0x5400] =	vst v63  }
0x119: {  	_ =	swait.ge [sflag:s13], $0x2800  }
0x11a: {  	[sflag:s13] =	ssyncset.done $0x0  }
0x11b: {  	[sflag:s13] =	ssyncadd.s32 $0xFFFFD800  }
0x11c: {  	_ =	swait.ge [sflag:s6], $0x2800  }
0x11d: {  	[sflag:s6] =	ssyncset.done $0x0  }
0x11e: {  	[sflag:s6] =	ssyncadd.s32 $0xFFFFD800  }
0x11f: {  	[tilespmem:s8], [sflag:$0x2] =	stream.indirect.gather [hbm4b:s2+s9], $0x80, s26, s9, $0xb8;
	[tilespmem:$0x5400] =	vst v63  }
0x120: {  	_ = 	snop  }
0x121: {  	[hbm4b:s21+s3] =	stream.linear.scatter [tilespmem:s10], [sflag:$0x3], $0x2800, $0x38;
	[tilespmem:$0x5400] =	vst v63  }
0x122: {  	_ =	swait.ge [sflag:s11], $0x2800  }
0x123: {  	[sflag:s11] =	ssyncset.done $0x0  }
0x124: {  	[sflag:s11] =	ssyncadd.s32 $0xFFFFD800  }
0x125: {  	_ =	swait.ge [sflag:s7], $0x2800  }
0x126: {  	[sflag:s7] =	ssyncset.done $0x0  }
0x127: {  	[sflag:s7] =	ssyncadd.s32 $0xFFFFD800  }
0x128: {  	[tilespmem:s10], [sflag:$0x1] =	stream.indirect.gather [hbm4b:s2+s9], $0x80, s25, s9, $0xb8;
	[tilespmem:$0x5400] =	vst v63  }
0x129: {  	_ = 	snop  }
0x12a: {  	[hbm4b:s19+s3] =	stream.linear.scatter [tilespmem:s8], [sflag:$0x4], $0x2800, $0x38;
	[tilespmem:$0x5400] =	vst v63  }
0x12b: {  	_ =	swait.ge [sflag:s13], $0x2800  }
0x12c: {  	[sflag:s13] =	ssyncset.done $0x0  }
0x12d: {  	[sflag:s13] =	ssyncadd.s32 $0xFFFFD800  }
0x12e: {  	_ =	swait.ge [sflag:s6], $0x2800  }
0x12f: {  	[sflag:s6] =	ssyncset.done $0x0  }
0x130: {  	[sflag:s6] =	ssyncadd.s32 $0xFFFFD800  }
0x131: {  	[tilespmem:s8], [sflag:$0x2] =	stream.indirect.gather [hbm4b:s2+s9], $0x80, s24, s9, $0xb8;
	[tilespmem:$0x5400] =	vst v63  }
0x132: {  	_ = 	snop  }
0x133: {  	[hbm4b:s17+s3] =	stream.linear.scatter [tilespmem:s10], [sflag:$0x3], $0x2800, $0x38;
	[tilespmem:$0x5400] =	vst v63  }
0x134: {  	_ =	swait.ge [sflag:s11], $0x2800  }
0x135: {  	[sflag:s11] =	ssyncset.done $0x0  }
0x136: {  	[sflag:s11] =	ssyncadd.s32 $0xFFFFD800  }
0x137: {  	_ =	swait.ge [sflag:s7], $0x2800  }
0x138: {  	[sflag:s7] =	ssyncset.done $0x0  }
0x139: {  	[sflag:s7] =	ssyncadd.s32 $0xFFFFD800  }
0x13a: {  	[tilespmem:s10], [sflag:$0x1] =	stream.indirect.gather [hbm4b:s2+s9], $0x80, s22, s9, $0xb8;
	[tilespmem:$0x5400] =	vst v63  }
0x13b: {  	_ = 	snop  }
0x13c: {  	[hbm4b:s15+s3] =	stream.linear.scatter [tilespmem:s8], [sflag:$0x4], $0x2800, $0x38;
	[tilespmem:$0x5400] =	vst v63  }
0x13d: {  	_ =	swait.ge [sflag:s13], $0x2800  }
0x13e: {  	[sflag:s13] =	ssyncset.done $0x0  }
0x13f: {  	[sflag:s13] =	ssyncadd.s32 $0xFFFFD800  }
0x140: {  	_ =	swait.ge [sflag:s6], $0x2800  }
0x141: {  	[sflag:s6] =	ssyncset.done $0x0  }
0x142: {  	[sflag:s6] =	ssyncadd.s32 $0xFFFFD800  }
0x143: {  	[tilespmem:s8], [sflag:$0x2] =	stream.indirect.gather [hbm4b:s2+s9], $0x80, s20, s9, $0xb8;
	[tilespmem:$0x5400] =	vst v63  }
0x144: {  	_ = 	snop  }
0x145: {  	[hbm4b:s14+s3] =	stream.linear.scatter [tilespmem:s10], [sflag:$0x3], $0x2800, $0x38;
	[tilespmem:$0x5400] =	vst v63  }
0x146: {  	_ =	swait.ge [sflag:s11], $0x2800  }
0x147: {  	[sflag:s11] =	ssyncset.done $0x0  }
0x148: {  	[sflag:s11] =	ssyncadd.s32 $0xFFFFD800  }
0x149: {  	_ =	swait.ge [sflag:s7], $0x2800  }
0x14a: {  	[sflag:s7] =	ssyncset.done $0x0  }
0x14b: {  	[sflag:s7] =	ssyncadd.s32 $0xFFFFD800  }
0x14c: {  	[tilespmem:s10], [sflag:$0x1] =	stream.indirect.gather [hbm4b:s2+s9], $0x80, s18, s9, $0xb8;
	[tilespmem:$0x5400] =	vst v63  }
0x14d: {  	_ = 	snop  }
0x14e: {  	[hbm4b:s12+s3] =	stream.linear.scatter [tilespmem:s8], [sflag:$0x4], $0x2800, $0x38;
	[tilespmem:$0x5400] =	vst v63  }
0x14f: {  	_ =	swait.ge [sflag:s13], $0x2800  }
0x150: {  	[sflag:s13] =	ssyncset.done $0x0  }
0x151: {  	[sflag:s13] =	ssyncadd.s32 $0xFFFFD800  }
0x152: {  	_ =	swait.ge [sflag:s6], $0x2800  }
0x153: {  	[sflag:s6] =	ssyncset.done $0x0  }
0x154: {  	[sflag:s6] =	ssyncadd.s32 $0xFFFFD800  }
0x155: {  	[tilespmem:s8], [sflag:$0x2] =	stream.indirect.gather [hbm4b:s2+s9], $0x80, s16, s9, $0xb8;
	[tilespmem:$0x5400] =	vst v63  }
0x156: {  	_ = 	snop  }
0x157: {  	[hbm4b:s5+s3] =	stream.linear.scatter [tilespmem:s10], [sflag:$0x3], $0x2800, $0x38;
	[tilespmem:$0x5400] =	vst v63  }
0x158: {  	_ =	swait.ge [sflag:s11], $0x2800  }
0x159: {  	[sflag:s11] =	ssyncset.done $0x0  }
0x15a: {  	[sflag:s11] =	ssyncadd.s32 $0xFFFFD800  }
0x15b: {  	[hbm4b:s4+s3] =	stream.linear.scatter [tilespmem:s8], [sflag:$0x4], $0x2800, $0x38;
	[tilespmem:$0x5400] =	vst v63  }
0x15c: {  	_ =	swait.ge [sflag:s7], $0x2800  }
0x15d: {  	[sflag:s7] =	ssyncset.done $0x0  }
0x15e: {  	[sflag:s7] =	ssyncadd.s32 $0xFFFFD800  }
0x15f: {  	_ =	swait.ge [sflag:s6], $0x2800  }
0x160: {  	[sflag:s6] =	ssyncset.done $0x0  }
0x161: {  	[sflag:s6] =	ssyncadd.s32 $0xFFFFD800  }
0x162: {  	_ =	sfence.sel $0x180000  }
0x163: {  	[bflag:$0x0] =	sbarrier.arrive $0xFFFF  }
0x164: {  	_ =	strace $0x9000004A  }
0x165: {  	s31 =	stileid.u32;
	[bflag:$0x2] =	sbarrier.arrive $0xFFFF  }
0x166: {  	p0 =	sne.s32 s31, $0x0;
	s0 =	rddreg [dreg:$0x2]  }
0x167: {  	s0 =	sadd.s32 @!p0 $0x100000, s0  }
0x168: {  	[sflag:s0] =	ssyncadd.tile.s32 @!p0 $0x1;
	_ =	shalt  }
.Lfunc_end2:
_tile_overlayer_lowered:
.L_overlay_start_2:
0x169: {  	(tag) =	ssettag $0x2  }
0x16a: {  	s0 =	rddreg [dreg:$0x0];
	s2 =	stileid.u32  }
0x16b: {  	s1 =	rddreg [dreg:$0x1];
	p0 =	sne.s32 s2, $0x0  }
0x16c: {  	s3 =	rddreg [dreg:$0x2];
	[bflag:$0x3] =	sbarrier.arrive $0xFFFF;
	s2 =	simm.s32 @!p0 $0x1C05  }
0x16d: {  	[timem:s3], [sflag:s2] =	dma.local @!p0 [hbm:s0], s1  }
0x16e: {  	s0 =	simm.s32 @!p0 $0x5  }
0x16f: {  	_ =	swait.ge @!p0 [sflag:s0], s1  }
0x170: {  	s1 =	ssub.s32 @!p0 $0x0, s1;
	[sflag:s0] =	ssyncset.done @!p0 $0x0  }
0x171: {  	[sflag:s0] =	ssyncadd.s32 @!p0 s1  }
0x172: {  	[bflag:$0x3] =	sbarrier.arrive $0xFFFF  }
0x173: {  	_ =	shalt  }

</sc_bundles>
